<compile_context>
chip_gen: v7x
topology: tpu7x:2x2x1
jax: 0.10.2.dev20260603
libtpu: 0.0.44.dev20260713+nightly
codegen_flags: <defaults>
</compile_context>

<pallas_src>
import dataclasses
import functools

import jax
import jax.numpy as jnp
from jax.experimental import pallas as pl
from jax.experimental.pallas import tpu as pltpu
from jax.experimental.pallas import tpu_sc as plsc

_ALPHA = 200.0
_NROW = 2048
_NCOL = 2048
_NBATCH = 8
_TOTROWS = _NBATCH * _NROW
_SC_ROWS = 8
_LANES = 16
_NCHUNK = _NCOL // _LANES


def _sc_body(x_vmem, m_vmem, o_vmem):
    @pl.loop(0, _SC_ROWS)
    def _(r):
        def mx(j, acc):
            v = x_vmem[r, pl.ds(j * _LANES, _LANES)]
            return jnp.maximum(acc, v)

        acc = jax.lax.fori_loop(
            0, _NCHUNK, mx, jnp.full((_LANES,), -jnp.inf, jnp.float32))
        m = jnp.max(acc)

        def ex(j, sv):
            v = x_vmem[r, pl.ds(j * _LANES, _LANES)]
            e = jnp.exp((v - m) * _ALPHA)
            o_vmem[r, pl.ds(j * _LANES, _LANES)] = e
            return sv + e

        sv = jax.lax.fori_loop(
            0, _NCHUNK, ex, jnp.zeros((_LANES,), jnp.float32))
        denom = jnp.zeros((_LANES,), jnp.float32) + jnp.sum(sv)
        scale = m_vmem[r, :] / denom

        @pl.loop(0, _NCHUNK)
        def _(j):
            o_vmem[r, pl.ds(j * _LANES, _LANES)] = (
                o_vmem[r, pl.ds(j * _LANES, _LANES)] * scale)


@jax.jit
def kernel(s, nrow_gt):
    s2 = s.reshape(_TOTROWS, _NCOL)
    row = jnp.arange(_NROW, dtype=jnp.int32)[None, :]
    mask = (row < nrow_gt[:, None]).astype(jnp.float32)
    mask3 = jnp.broadcast_to(
        mask.reshape(_TOTROWS, 1), (_TOTROWS, _LANES))

    cp = pltpu.CompilerParams()
    if "needs_layout_passes" in pltpu.CompilerParams.__dataclass_fields__:
        cp = dataclasses.replace(cp, needs_layout_passes=False)

    @pl.kernel(
        out_type=jax.ShapeDtypeStruct((_TOTROWS, _NCOL), jnp.float32),
        mesh=plsc.VectorSubcoreMesh(core_axis_name="c",
                                    subcore_axis_name="s"),
        compiler_params=cp)
    def sc_kernel(s_hbm, m_hbm, o_hbm):
        pltpu.emit_pipeline(
            _sc_body,
            grid=(_TOTROWS // _SC_ROWS,),
            in_specs=[
                pl.BlockSpec((_SC_ROWS, _NCOL), lambda i: (i, 0)),
                pl.BlockSpec((_SC_ROWS, _LANES), lambda i: (i, 0)),
            ],
            out_specs=[pl.BlockSpec((_SC_ROWS, _NCOL), lambda i: (i, 0))],
            core_axis_name=("c", "s"),
            dimension_semantics=(pltpu.PARALLEL,),
        )(s_hbm, m_hbm, o_hbm)

    out = sc_kernel(s2, mask3)
    return out.reshape(_NBATCH, _NROW, _NCOL)

# --- scband reference (transcript-rebuilt; emitter-appended) ---
"""Pipeline reference for scband-voting-1726576854584 (READ-ONLY COPY).

The authoritative reference and input builder live on the scoring server;
editing this copy changes nothing except your own understanding.
"""

import jax, jax.numpy as jnp
import numpy as np

ALPHA = 200.0


def setup_inputs(seed: int = 0) -> dict:
    key = jax.random.key(seed)
    k1, k2 = jax.random.split(key)
    s = jax.random.normal(k1, (8, 2048, 2048), dtype=jnp.float32)
    nrow_gt = jax.random.randint(k2, (8,), 0, 2048, dtype=jnp.int32)
    return {"s": s, "nrow_gt": nrow_gt}


def reference(s, nrow_gt):
    # Voting layer: ret_s[b, 0:n, :] = softmax(alpha * s[b, 0:n, :], axis=-1); rows >= n stay zero.
    # softmax is over the full last dim (ncol_gt is None), so compute rowwise softmax then mask ragged rows.
    full = jax.nn.softmax(ALPHA * s, axis=-1)
    row_idx = jnp.arange(s.shape[1], dtype=nrow_gt.dtype)[None, :, None]
    mask = row_idx < nrow_gt[:, None, None]
    ret_s = jnp.where(mask, full, jnp.zeros_like(full))
    return ret_s

if __name__ == "__main__":
    import jax
    _d = setup_inputs()
    print(jax.jit(kernel)(*tuple(_d.values())))

</pallas_src>

<mosaic_0001>
#map = affine_map<(d0, d1) -> (0, 0)>
module attributes {stable_mosaic.version = 14 : i64} {
  func.func @sc_kernel(%arg0: i32, %arg1: i32, %arg2: memref<16384x2048xf32, #tpu.memory_space<hbm>>, %arg3: memref<16384x16xf32, #tpu.memory_space<hbm>>, %arg4: memref<16384x2048xf32, #tpu.memory_space<hbm>>) attributes {dimension_semantics = [#tpu.dimension_semantics<core_parallel>, #tpu.dimension_semantics<subcore_parallel>], iteration_bounds = array<i64: 2, 16>, scalar_prefetch = 0 : i64, scratch_operands = 0 : i64, tpu.core_type = #tpu.core_type<sc_vector_subcore>, window_params = [{transform_indices = #map}, {transform_indices = #map}, {transform_indices = #map}]} {
    %mul3A = arith.constant 1 : i32
    %mul3A_0 = arith.muli %arg1, %mul3A : i32
    %add3A = arith.constant 0 : i32
    %add3A_1 = arith.addi %add3A, %mul3A_0 : i32
    %mul3A_2 = arith.constant 16 : i32
    %mul3A_3 = arith.muli %arg0, %mul3A_2 : i32
    %add3A_4 = arith.addi %add3A_1, %mul3A_3 : i32
    %mul3A_5 = arith.constant 64 : i32
    %mul3A_6 = arith.muli %add3A_4, %mul3A_5 : i32
    "tpu.region"() ({
      %run_scoped3A = memref.alloca() : memref<2x8x2048xf32, #tpu.memory_space<vmem>>
      %run_scoped3A_7 = tpu.sem_alloc : memref<2x!tpu.dma_semaphore, #tpu.memory_space<semaphore_mem>>
      %run_scoped3A_8 = memref.alloca() : memref<2x8x16xf32, #tpu.memory_space<vmem>>
      %run_scoped3A_9 = tpu.sem_alloc : memref<2x!tpu.dma_semaphore, #tpu.memory_space<semaphore_mem>>
      %run_scoped3A_10 = memref.alloca() : memref<2x8x2048xf32, #tpu.memory_space<vmem>>
      %run_scoped3A_11 = tpu.sem_alloc : memref<2x!tpu.dma_semaphore, #tpu.memory_space<semaphore_mem>>
      %add3A_12 = arith.constant 0 : i32
      %add3A_13 = arith.addi %add3A_12, %mul3A_6 : i32
      %select_n3A = arith.constant true
      %select_n3A_14 = arith.constant 0 : i32
      %select_n3A_15 = arith.constant -1 : i32
      %select_n3A_16 = arith.select %select_n3A, %select_n3A_15, %select_n3A_14 : i32
      %eq3A = arith.constant -1 : i32
      %eq3A_17 = arith.cmpi eq, %select_n3A_16, %eq3A : i32
      %select_n3A_18 = arith.constant 63 : i32
      %select_n3A_19 = arith.select %eq3A_17, %select_n3A_18, %select_n3A_16 : i32
      %add3A_20 = arith.addi %select_n3A_19, %mul3A_6 : i32
      %select_n3A_21 = arith.constant true
      %select_n3A_22 = arith.constant 0 : i32
      %select_n3A_23 = arith.constant 1 : i32
      %select_n3A_24 = arith.select %select_n3A_21, %select_n3A_23, %select_n3A_22 : i32
      %eq3A_25 = arith.constant 64 : i32
      %eq3A_26 = arith.cmpi eq, %select_n3A_24, %eq3A_25 : i32
      %select_n3A_27 = arith.constant 0 : i32
      %select_n3A_28 = arith.select %eq3A_26, %select_n3A_27, %select_n3A_24 : i32
      %add3A_29 = arith.addi %select_n3A_28, %mul3A_6 : i32
      %add3A_30 = arith.constant 1 : i32
      %add3A_31 = arith.addi %select_n3A_28, %add3A_30 : i32
      %select_n3A_32 = arith.constant true
      %select_n3A_33 = arith.select %select_n3A_32, %add3A_31, %select_n3A_28 : i32
      %eq3A_34 = arith.constant 64 : i32
      %eq3A_35 = arith.cmpi eq, %select_n3A_33, %eq3A_34 : i32
      %select_n3A_36 = arith.constant 0 : i32
      %select_n3A_37 = arith.select %eq3A_35, %select_n3A_36, %select_n3A_33 : i32
      %add3A_38 = arith.addi %select_n3A_37, %mul3A_6 : i32
      "tpu.trace_start"() <{level = 10 : i32, message = "ep_initialize_0"}> : () -> ()
      %rem3A = arith.constant 0 : i32
      %rem3A_39 = arith.constant 2 : i32
      %rem3A_40 = arith.remui %rem3A, %rem3A_39 : i32
      %mul3A_41 = arith.constant 8 : i32
      %mul3A_42 = arith.muli %mul3A_41, %add3A_13 : i32
      %dma_start3A = arith.constant 0 : i32
      %dma_start3A_43 = arith.constant 0 : i32
      %dma_start3A_44 = tpu.memref_slice %run_scoped3A[%rem3A_40, %dma_start3A, %dma_start3A_43] : memref<2x8x2048xf32, #tpu.memory_space<vmem>> -> memref<1x8x2048xf32, #tpu.memory_space<vmem>>
      %dma_start3A_45 = tpu.memref_squeeze %dma_start3A_44 : memref<1x8x2048xf32, #tpu.memory_space<vmem>> -> memref<8x2048xf32, #tpu.memory_space<vmem>>
      %dma_start3A_46 = arith.constant 0 : i32
      %dma_start3A_47 = tpu.memref_slice %arg2[%mul3A_42, %dma_start3A_46] : memref<16384x2048xf32, #tpu.memory_space<hbm>> -> memref<8x2048xf32, #tpu.memory_space<hbm>>
      %dma_start3A_48 = tpu.memref_slice %run_scoped3A_7[%rem3A_40] : memref<2x!tpu.dma_semaphore, #tpu.memory_space<semaphore_mem>> -> memref<1x!tpu.dma_semaphore, #tpu.memory_space<semaphore_mem>>
      %dma_start3A_49 = tpu.memref_squeeze %dma_start3A_48 : memref<1x!tpu.dma_semaphore, #tpu.memory_space<semaphore_mem>> -> memref<!tpu.dma_semaphore, #tpu.memory_space<semaphore_mem>>
      %dma_start3A_50 = arith.constant 0 : i32
      %dma_start3A_51 = arith.constant 0 : i32
      %dma_start3A_52 = tpu.memref_slice %run_scoped3A[%rem3A_40, %dma_start3A_50, %dma_start3A_51] : memref<2x8x2048xf32, #tpu.memory_space<vmem>> -> memref<1x8x2048xf32, #tpu.memory_space<vmem>>
      %dma_start3A_53 = tpu.memref_squeeze %dma_start3A_52 : memref<1x8x2048xf32, #tpu.memory_space<vmem>> -> memref<8x2048xf32, #tpu.memory_space<vmem>>
      %dma_start3A_54 = arith.constant 0 : i32
      %dma_start3A_55 = tpu.memref_slice %arg2[%mul3A_42, %dma_start3A_54] : memref<16384x2048xf32, #tpu.memory_space<hbm>> -> memref<8x2048xf32, #tpu.memory_space<hbm>>
      tpu.enqueue_dma source(%dma_start3A_55 : memref<8x2048xf32, #tpu.memory_space<hbm>>) target(%dma_start3A_53 : memref<8x2048xf32, #tpu.memory_space<vmem>>) target_semaphore(%dma_start3A_49 : memref<!tpu.dma_semaphore, #tpu.memory_space<semaphore_mem>>)
      %add3A_56 = arith.constant 0 : i32
      %add3A_57 = arith.constant 1 : i32
      %add3A_58 = arith.addi %add3A_56, %add3A_57 : i32
      %select_n3A_59 = arith.constant true
      %select_n3A_60 = arith.constant 0 : i32
      %select_n3A_61 = arith.select %select_n3A_59, %add3A_58, %select_n3A_60 : i32
      %rem3A_62 = arith.constant 0 : i32
      %rem3A_63 = arith.constant 2 : i32
      %rem3A_64 = arith.remui %rem3A_62, %rem3A_63 : i32
      %mul3A_65 = arith.constant 8 : i32
      %mul3A_66 = arith.muli %mul3A_65, %add3A_13 : i32
      %dma_start3A_67 = arith.constant 0 : i32
      %dma_start3A_68 = arith.constant 0 : i32
      %dma_start3A_69 = tpu.memref_slice %run_scoped3A_8[%rem3A_64, %dma_start3A_67, %dma_start3A_68] : memref<2x8x16xf32, #tpu.memory_space<vmem>> -> memref<1x8x16xf32, #tpu.memory_space<vmem>>
      %dma_start3A_70 = tpu.memref_squeeze %dma_start3A_69 : memref<1x8x16xf32, #tpu.memory_space<vmem>> -> memref<8x16xf32, #tpu.memory_space<vmem>>
      %dma_start3A_71 = arith.constant 0 : i32
      %dma_start3A_72 = tpu.memref_slice %arg3[%mul3A_66, %dma_start3A_71] : memref<16384x16xf32, #tpu.memory_space<hbm>> -> memref<8x16xf32, #tpu.memory_space<hbm>>
      %dma_start3A_73 = tpu.memref_slice %run_scoped3A_9[%rem3A_64] : memref<2x!tpu.dma_semaphore, #tpu.memory_space<semaphore_mem>> -> memref<1x!tpu.dma_semaphore, #tpu.memory_space<semaphore_mem>>
      %dma_start3A_74 = tpu.memref_squeeze %dma_start3A_73 : memref<1x!tpu.dma_semaphore, #tpu.memory_space<semaphore_mem>> -> memref<!tpu.dma_semaphore, #tpu.memory_space<semaphore_mem>>
      %dma_start3A_75 = arith.constant 0 : i32
      %dma_start3A_76 = arith.constant 0 : i32
      %dma_start3A_77 = tpu.memref_slice %run_scoped3A_8[%rem3A_64, %dma_start3A_75, %dma_start3A_76] : memref<2x8x16xf32, #tpu.memory_space<vmem>> -> memref<1x8x16xf32, #tpu.memory_space<vmem>>
      %dma_start3A_78 = tpu.memref_squeeze %dma_start3A_77 : memref<1x8x16xf32, #tpu.memory_space<vmem>> -> memref<8x16xf32, #tpu.memory_space<vmem>>
      %dma_start3A_79 = arith.constant 0 : i32
      %dma_start3A_80 = tpu.memref_slice %arg3[%mul3A_66, %dma_start3A_79] : memref<16384x16xf32, #tpu.memory_space<hbm>> -> memref<8x16xf32, #tpu.memory_space<hbm>>
      tpu.enqueue_dma source(%dma_start3A_80 : memref<8x16xf32, #tpu.memory_space<hbm>>) target(%dma_start3A_78 : memref<8x16xf32, #tpu.memory_space<vmem>>) target_semaphore(%dma_start3A_74 : memref<!tpu.dma_semaphore, #tpu.memory_space<semaphore_mem>>)
      %add3A_81 = arith.constant 0 : i32
      %add3A_82 = arith.constant 1 : i32
      %add3A_83 = arith.addi %add3A_81, %add3A_82 : i32
      %select_n3A_84 = arith.constant true
      %select_n3A_85 = arith.constant 0 : i32
      %select_n3A_86 = arith.select %select_n3A_84, %add3A_83, %select_n3A_85 : i32
      "tpu.trace_stop"() : () -> ()
      %scan3A = arith.constant 0 : i32
      %scan3A_87 = arith.constant 0 : i32
      %scan3A_88 = arith.constant 0 : i32
      %scan3A_89 = arith.constant 0 : i32
      %scan3A_90 = arith.constant 0 : i32
      %scan3A_91 = arith.constant 0 : i32
      %scan3A_92 = arith.constant 64 : i32
      %scan3A_93 = arith.addi %scan3A_91, %scan3A_92 : i32
      %scan3A_94 = arith.constant 1 : i32
      %scan3A_95:7 = scf.for %scan3A_149 = %scan3A_91 to %scan3A_93 step %scan3A_94 iter_args(%scan3A_150 = %select_n3A_61, %scan3A_151 = %scan3A, %scan3A_152 = %select_n3A_86, %scan3A_153 = %scan3A_87, %scan3A_154 = %scan3A_88, %scan3A_155 = %scan3A_89, %scan3A_156 = %scan3A_90) -> (i32, i32, i32, i32, i32, i32, i32)  : i32 {
        %eq3A_157 = arith.constant 0 : i32
        %eq3A_158 = arith.cmpi eq, %scan3A_149, %eq3A_157 : i32
        %eq3A_159 = arith.constant 63 : i32
        %eq3A_160 = arith.cmpi eq, %scan3A_149, %eq3A_159 : i32
        %add3A_161 = arith.addi %scan3A_156, %mul3A_6 : i32
        %sub3A_162 = arith.constant 1 : i32
        %sub3A_163 = arith.subi %scan3A_156, %sub3A_162 : i32
        %select_n3A_164 = arith.constant true
        %select_n3A_165 = arith.select %select_n3A_164, %sub3A_163, %scan3A_156 : i32
        %eq3A_166 = arith.constant -1 : i32
        %eq3A_167 = arith.cmpi eq, %select_n3A_165, %eq3A_166 : i32
        %select_n3A_168 = arith.constant 63 : i32
        %select_n3A_169 = arith.select %eq3A_167, %select_n3A_168, %select_n3A_165 : i32
        %add3A_170 = arith.addi %select_n3A_169, %mul3A_6 : i32
        %add3A_171 = arith.constant 1 : i32
        %add3A_172 = arith.addi %scan3A_156, %add3A_171 : i32
        %select_n3A_173 = arith.constant true
        %select_n3A_174 = arith.select %select_n3A_173, %add3A_172, %scan3A_156 : i32
        %eq3A_175 = arith.constant 64 : i32
        %eq3A_176 = arith.cmpi eq, %select_n3A_174, %eq3A_175 : i32
        %select_n3A_177 = arith.constant 0 : i32
        %select_n3A_178 = arith.select %eq3A_176, %select_n3A_177, %select_n3A_174 : i32
        %add3A_179 = arith.addi %select_n3A_178, %mul3A_6 : i32
        %add3A_180 = arith.constant 1 : i32
        %add3A_181 = arith.addi %select_n3A_178, %add3A_180 : i32
        %select_n3A_182 = arith.constant true
        %select_n3A_183 = arith.select %select_n3A_182, %add3A_181, %select_n3A_178 : i32
        %eq3A_184 = arith.constant 64 : i32
        %eq3A_185 = arith.cmpi eq, %select_n3A_183, %eq3A_184 : i32
        %select_n3A_186 = arith.constant 0 : i32
        %select_n3A_187 = arith.select %eq3A_185, %select_n3A_186, %select_n3A_183 : i32
        %add3A_188 = arith.addi %select_n3A_187, %mul3A_6 : i32
        %ne3A = arith.cmpi ne, %add3A_161, %add3A_179 : i32
        %or3A = arith.constant false
        %or3A_189 = arith.ori %or3A, %ne3A : i1
        %or3A_190 = arith.constant false
        %or3A_191 = arith.ori %or3A_189, %or3A_190 : i1
        %ge3A = arith.constant 63 : i32
        %ge3A_192 = arith.cmpi sge, %scan3A_149, %ge3A : i32
        %not3A = arith.constant true
        %not3A_193 = arith.xori %ge3A_192, %not3A : i1
        %and3A = arith.andi %or3A_191, %not3A_193 : i1
        %convert_element_type3A = arith.extui %and3A : i1 to i32
        %cond3A = arith.constant 0 : i32
        %cond3A_194 = arith.cmpi ne, %convert_element_type3A, %cond3A : i32
        scf.if %cond3A_194 {
          "tpu.trace_start"() <{level = 10 : i32, message = "ep_copy_in"}> : () -> ()
          %rem3A_370 = arith.constant 2 : i32
          %rem3A_371 = arith.remui %scan3A_150, %rem3A_370 : i32
          %mul3A_372 = arith.constant 8 : i32
          %mul3A_373 = arith.muli %mul3A_372, %add3A_179 : i32
          %dma_start3A_374 = arith.constant 0 : i32
          %dma_start3A_375 = arith.constant 0 : i32
          %dma_start3A_376 = tpu.memref_slice %run_scoped3A[%rem3A_371, %dma_start3A_374, %dma_start3A_375] : memref<2x8x2048xf32, #tpu.memory_space<vmem>> -> memref<1x8x2048xf32, #tpu.memory_space<vmem>>
          %dma_start3A_377 = tpu.memref_squeeze %dma_start3A_376 : memref<1x8x2048xf32, #tpu.memory_space<vmem>> -> memref<8x2048xf32, #tpu.memory_space<vmem>>
          %dma_start3A_378 = arith.constant 0 : i32
          %dma_start3A_379 = tpu.memref_slice %arg2[%mul3A_373, %dma_start3A_378] : memref<16384x2048xf32, #tpu.memory_space<hbm>> -> memref<8x2048xf32, #tpu.memory_space<hbm>>
          %dma_start3A_380 = tpu.memref_slice %run_scoped3A_7[%rem3A_371] : memref<2x!tpu.dma_semaphore, #tpu.memory_space<semaphore_mem>> -> memref<1x!tpu.dma_semaphore, #tpu.memory_space<semaphore_mem>>
          %dma_start3A_381 = tpu.memref_squeeze %dma_start3A_380 : memref<1x!tpu.dma_semaphore, #tpu.memory_space<semaphore_mem>> -> memref<!tpu.dma_semaphore, #tpu.memory_space<semaphore_mem>>
          %dma_start3A_382 = arith.constant 0 : i32
          %dma_start3A_383 = arith.constant 0 : i32
          %dma_start3A_384 = tpu.memref_slice %run_scoped3A[%rem3A_371, %dma_start3A_382, %dma_start3A_383] : memref<2x8x2048xf32, #tpu.memory_space<vmem>> -> memref<1x8x2048xf32, #tpu.memory_space<vmem>>
          %dma_start3A_385 = tpu.memref_squeeze %dma_start3A_384 : memref<1x8x2048xf32, #tpu.memory_space<vmem>> -> memref<8x2048xf32, #tpu.memory_space<vmem>>
          %dma_start3A_386 = arith.constant 0 : i32
          %dma_start3A_387 = tpu.memref_slice %arg2[%mul3A_373, %dma_start3A_386] : memref<16384x2048xf32, #tpu.memory_space<hbm>> -> memref<8x2048xf32, #tpu.memory_space<hbm>>
          tpu.enqueue_dma source(%dma_start3A_387 : memref<8x2048xf32, #tpu.memory_space<hbm>>) target(%dma_start3A_385 : memref<8x2048xf32, #tpu.memory_space<vmem>>) target_semaphore(%dma_start3A_381 : memref<!tpu.dma_semaphore, #tpu.memory_space<semaphore_mem>>)
          "tpu.trace_stop"() : () -> ()
        } else {
        }
        %and3A_195 = arith.constant true
        %and3A_196 = arith.andi %and3A, %and3A_195 : i1
        %add3A_197 = arith.constant 1 : i32
        %add3A_198 = arith.addi %scan3A_150, %add3A_197 : i32
        %select_n3A_199 = arith.select %and3A_196, %add3A_198, %scan3A_150 : i32
        %ne3A_200 = arith.cmpi ne, %add3A_161, %add3A_179 : i32
        %or3A_201 = arith.constant false
        %or3A_202 = arith.ori %or3A_201, %ne3A_200 : i1
        %or3A_203 = arith.constant false
        %or3A_204 = arith.ori %or3A_202, %or3A_203 : i1
        %ge3A_205 = arith.constant 63 : i32
        %ge3A_206 = arith.cmpi sge, %scan3A_149, %ge3A_205 : i32
        %not3A_207 = arith.constant true
        %not3A_208 = arith.xori %ge3A_206, %not3A_207 : i1
        %and3A_209 = arith.andi %or3A_204, %not3A_208 : i1
        %convert_element_type3A_210 = arith.extui %and3A_209 : i1 to i32
        %cond3A_211 = arith.constant 0 : i32
        %cond3A_212 = arith.cmpi ne, %convert_element_type3A_210, %cond3A_211 : i32
        scf.if %cond3A_212 {
          "tpu.trace_start"() <{level = 10 : i32, message = "ep_copy_in"}> : () -> ()
          %rem3A_370 = arith.constant 2 : i32
          %rem3A_371 = arith.remui %scan3A_152, %rem3A_370 : i32
          %mul3A_372 = arith.constant 8 : i32
          %mul3A_373 = arith.muli %mul3A_372, %add3A_179 : i32
          %dma_start3A_374 = arith.constant 0 : i32
          %dma_start3A_375 = arith.constant 0 : i32
          %dma_start3A_376 = tpu.memref_slice %run_scoped3A_8[%rem3A_371, %dma_start3A_374, %dma_start3A_375] : memref<2x8x16xf32, #tpu.memory_space<vmem>> -> memref<1x8x16xf32, #tpu.memory_space<vmem>>
          %dma_start3A_377 = tpu.memref_squeeze %dma_start3A_376 : memref<1x8x16xf32, #tpu.memory_space<vmem>> -> memref<8x16xf32, #tpu.memory_space<vmem>>
          %dma_start3A_378 = arith.constant 0 : i32
          %dma_start3A_379 = tpu.memref_slice %arg3[%mul3A_373, %dma_start3A_378] : memref<16384x16xf32, #tpu.memory_space<hbm>> -> memref<8x16xf32, #tpu.memory_space<hbm>>
          %dma_start3A_380 = tpu.memref_slice %run_scoped3A_9[%rem3A_371] : memref<2x!tpu.dma_semaphore, #tpu.memory_space<semaphore_mem>> -> memref<1x!tpu.dma_semaphore, #tpu.memory_space<semaphore_mem>>
          %dma_start3A_381 = tpu.memref_squeeze %dma_start3A_380 : memref<1x!tpu.dma_semaphore, #tpu.memory_space<semaphore_mem>> -> memref<!tpu.dma_semaphore, #tpu.memory_space<semaphore_mem>>
          %dma_start3A_382 = arith.constant 0 : i32
          %dma_start3A_383 = arith.constant 0 : i32
          %dma_start3A_384 = tpu.memref_slice %run_scoped3A_8[%rem3A_371, %dma_start3A_382, %dma_start3A_383] : memref<2x8x16xf32, #tpu.memory_space<vmem>> -> memref<1x8x16xf32, #tpu.memory_space<vmem>>
          %dma_start3A_385 = tpu.memref_squeeze %dma_start3A_384 : memref<1x8x16xf32, #tpu.memory_space<vmem>> -> memref<8x16xf32, #tpu.memory_space<vmem>>
          %dma_start3A_386 = arith.constant 0 : i32
          %dma_start3A_387 = tpu.memref_slice %arg3[%mul3A_373, %dma_start3A_386] : memref<16384x16xf32, #tpu.memory_space<hbm>> -> memref<8x16xf32, #tpu.memory_space<hbm>>
          tpu.enqueue_dma source(%dma_start3A_387 : memref<8x16xf32, #tpu.memory_space<hbm>>) target(%dma_start3A_385 : memref<8x16xf32, #tpu.memory_space<vmem>>) target_semaphore(%dma_start3A_381 : memref<!tpu.dma_semaphore, #tpu.memory_space<semaphore_mem>>)
          "tpu.trace_stop"() : () -> ()
        } else {
        }
        %and3A_213 = arith.constant true
        %and3A_214 = arith.andi %and3A_209, %and3A_213 : i1
        %add3A_215 = arith.constant 1 : i32
        %add3A_216 = arith.addi %scan3A_152, %add3A_215 : i32
        %select_n3A_217 = arith.select %and3A_214, %add3A_216, %scan3A_152 : i32
        %ne3A_218 = arith.cmpi ne, %add3A_161, %add3A_179 : i32
        %or3A_219 = arith.constant false
        %or3A_220 = arith.ori %or3A_219, %ne3A_218 : i1
        %or3A_221 = arith.constant false
        %or3A_222 = arith.ori %or3A_220, %or3A_221 : i1
        %ge3A_223 = arith.constant 63 : i32
        %ge3A_224 = arith.cmpi sge, %scan3A_149, %ge3A_223 : i32
        %not3A_225 = arith.constant true
        %not3A_226 = arith.xori %ge3A_224, %not3A_225 : i1
        %and3A_227 = arith.andi %or3A_222, %not3A_226 : i1
        %ne3A_228 = arith.cmpi ne, %add3A_161, %add3A_170 : i32
        %or3A_229 = arith.constant false
        %or3A_230 = arith.ori %or3A_229, %ne3A_228 : i1
        %or3A_231 = arith.constant false
        %or3A_232 = arith.ori %or3A_230, %or3A_231 : i1
        %or3A_233 = arith.ori %or3A_232, %eq3A_158 : i1
        %convert_element_type3A_234 = arith.extui %or3A_233 : i1 to i32
        %cond3A_235 = arith.constant 0 : i32
        %cond3A_236 = arith.cmpi ne, %convert_element_type3A_234, %cond3A_235 : i32
        scf.if %cond3A_236 {
          "tpu.trace_start"() <{level = 10 : i32, message = "ep_wait_in"}> : () -> ()
          %mul3A_370 = arith.constant 8 : i32
          %mul3A_371 = arith.muli %mul3A_370, %add3A_161 : i32
          %rem3A_372 = arith.constant 2 : i32
          %rem3A_373 = arith.remui %scan3A_151, %rem3A_372 : i32
          %dma_wait3A_374 = arith.constant 0 : i32
          %dma_wait3A_375 = arith.constant 0 : i32
          %dma_wait3A_376 = tpu.memref_slice %run_scoped3A[%rem3A_373, %dma_wait3A_374, %dma_wait3A_375] : memref<2x8x2048xf32, #tpu.memory_space<vmem>> -> memref<1x8x2048xf32, #tpu.memory_space<vmem>>
          %dma_wait3A_377 = tpu.memref_squeeze %dma_wait3A_376 : memref<1x8x2048xf32, #tpu.memory_space<vmem>> -> memref<8x2048xf32, #tpu.memory_space<vmem>>
          %dma_wait3A_378 = arith.constant 0 : i32
          %dma_wait3A_379 = tpu.memref_slice %arg2[%mul3A_371, %dma_wait3A_378] : memref<16384x2048xf32, #tpu.memory_space<hbm>> -> memref<8x2048xf32, #tpu.memory_space<hbm>>
          %dma_wait3A_380 = tpu.memref_slice %run_scoped3A_7[%rem3A_373] : memref<2x!tpu.dma_semaphore, #tpu.memory_space<semaphore_mem>> -> memref<1x!tpu.dma_semaphore, #tpu.memory_space<semaphore_mem>>
          %dma_wait3A_381 = tpu.memref_squeeze %dma_wait3A_380 : memref<1x!tpu.dma_semaphore, #tpu.memory_space<semaphore_mem>> -> memref<!tpu.dma_semaphore, #tpu.memory_space<semaphore_mem>>
          %dma_wait3A_382 = arith.constant 0 : i32
          %dma_wait3A_383 = arith.constant 0 : i32
          %dma_wait3A_384 = tpu.memref_slice %run_scoped3A[%rem3A_373, %dma_wait3A_382, %dma_wait3A_383] : memref<2x8x2048xf32, #tpu.memory_space<vmem>> -> memref<1x8x2048xf32, #tpu.memory_space<vmem>>
          %dma_wait3A_385 = tpu.memref_squeeze %dma_wait3A_384 : memref<1x8x2048xf32, #tpu.memory_space<vmem>> -> memref<8x2048xf32, #tpu.memory_space<vmem>>
          %dma_wait3A_386 = arith.constant 0 : i32
          %dma_wait3A_387 = tpu.memref_slice %arg2[%mul3A_371, %dma_wait3A_386] : memref<16384x2048xf32, #tpu.memory_space<hbm>> -> memref<8x2048xf32, #tpu.memory_space<hbm>>
          tpu.wait_dma2 semaphore(%dma_wait3A_381 : memref<!tpu.dma_semaphore, #tpu.memory_space<semaphore_mem>>) src(%dma_wait3A_387 : memref<8x2048xf32, #tpu.memory_space<hbm>>) dst(%dma_wait3A_385 : memref<8x2048xf32, #tpu.memory_space<vmem>>)
          "tpu.trace_stop"() : () -> ()
        } else {
        }
        %ne3A_237 = arith.cmpi ne, %add3A_161, %add3A_170 : i32
        %or3A_238 = arith.constant false
        %or3A_239 = arith.ori %or3A_238, %ne3A_237 : i1
        %or3A_240 = arith.constant false
        %or3A_241 = arith.ori %or3A_239, %or3A_240 : i1
        %or3A_242 = arith.ori %or3A_241, %eq3A_158 : i1
        %convert_element_type3A_243 = arith.extui %or3A_242 : i1 to i32
        %cond3A_244 = arith.constant 0 : i32
        %cond3A_245 = arith.cmpi ne, %convert_element_type3A_243, %cond3A_244 : i32
        scf.if %cond3A_245 {
          "tpu.trace_start"() <{level = 10 : i32, message = "ep_wait_in"}> : () -> ()
          %mul3A_370 = arith.constant 8 : i32
          %mul3A_371 = arith.muli %mul3A_370, %add3A_161 : i32
          %rem3A_372 = arith.constant 2 : i32
          %rem3A_373 = arith.remui %scan3A_153, %rem3A_372 : i32
          %dma_wait3A_374 = arith.constant 0 : i32
          %dma_wait3A_375 = arith.constant 0 : i32
          %dma_wait3A_376 = tpu.memref_slice %run_scoped3A_8[%rem3A_373, %dma_wait3A_374, %dma_wait3A_375] : memref<2x8x16xf32, #tpu.memory_space<vmem>> -> memref<1x8x16xf32, #tpu.memory_space<vmem>>
          %dma_wait3A_377 = tpu.memref_squeeze %dma_wait3A_376 : memref<1x8x16xf32, #tpu.memory_space<vmem>> -> memref<8x16xf32, #tpu.memory_space<vmem>>
          %dma_wait3A_378 = arith.constant 0 : i32
          %dma_wait3A_379 = tpu.memref_slice %arg3[%mul3A_371, %dma_wait3A_378] : memref<16384x16xf32, #tpu.memory_space<hbm>> -> memref<8x16xf32, #tpu.memory_space<hbm>>
          %dma_wait3A_380 = tpu.memref_slice %run_scoped3A_9[%rem3A_373] : memref<2x!tpu.dma_semaphore, #tpu.memory_space<semaphore_mem>> -> memref<1x!tpu.dma_semaphore, #tpu.memory_space<semaphore_mem>>
          %dma_wait3A_381 = tpu.memref_squeeze %dma_wait3A_380 : memref<1x!tpu.dma_semaphore, #tpu.memory_space<semaphore_mem>> -> memref<!tpu.dma_semaphore, #tpu.memory_space<semaphore_mem>>
          %dma_wait3A_382 = arith.constant 0 : i32
          %dma_wait3A_383 = arith.constant 0 : i32
          %dma_wait3A_384 = tpu.memref_slice %run_scoped3A_8[%rem3A_373, %dma_wait3A_382, %dma_wait3A_383] : memref<2x8x16xf32, #tpu.memory_space<vmem>> -> memref<1x8x16xf32, #tpu.memory_space<vmem>>
          %dma_wait3A_385 = tpu.memref_squeeze %dma_wait3A_384 : memref<1x8x16xf32, #tpu.memory_space<vmem>> -> memref<8x16xf32, #tpu.memory_space<vmem>>
          %dma_wait3A_386 = arith.constant 0 : i32
          %dma_wait3A_387 = tpu.memref_slice %arg3[%mul3A_371, %dma_wait3A_386] : memref<16384x16xf32, #tpu.memory_space<hbm>> -> memref<8x16xf32, #tpu.memory_space<hbm>>
          tpu.wait_dma2 semaphore(%dma_wait3A_381 : memref<!tpu.dma_semaphore, #tpu.memory_space<semaphore_mem>>) src(%dma_wait3A_387 : memref<8x16xf32, #tpu.memory_space<hbm>>) dst(%dma_wait3A_385 : memref<8x16xf32, #tpu.memory_space<vmem>>)
          "tpu.trace_stop"() : () -> ()
        } else {
        }
        %ne3A_246 = arith.cmpi ne, %add3A_161, %add3A_170 : i32
        %or3A_247 = arith.constant false
        %or3A_248 = arith.ori %or3A_247, %ne3A_246 : i1
        %or3A_249 = arith.constant false
        %or3A_250 = arith.ori %or3A_248, %or3A_249 : i1
        %or3A_251 = arith.ori %or3A_250, %eq3A_158 : i1
        %convert_element_type3A_252 = arith.extui %or3A_251 : i1 to i32
        %cond3A_253 = arith.constant 0 : i32
        %cond3A_254 = arith.cmpi ne, %convert_element_type3A_252, %cond3A_253 : i32
        scf.if %cond3A_254 {
        } else {
        }
        %rem3A_255 = arith.constant 2 : i32
        %rem3A_256 = arith.remui %scan3A_151, %rem3A_255 : i32
        %rem3A_257 = arith.constant 2 : i32
        %rem3A_258 = arith.remui %scan3A_153, %rem3A_257 : i32
        %rem3A_259 = arith.constant 2 : i32
        %rem3A_260 = arith.remui %scan3A_154, %rem3A_259 : i32
        "tpu.trace_start"() <{level = 10 : i32, message = "ep_run_kernel"}> : () -> ()
        %scan3A_261 = arith.constant 0 : i32
        %scan3A_262 = arith.constant 8 : i32
        %scan3A_263 = arith.addi %scan3A_261, %scan3A_262 : i32
        %scan3A_264 = arith.constant 1 : i32
        scf.for %scan3A_370 = %scan3A_261 to %scan3A_263 step %scan3A_264  : i32 {
          %mul3A_371 = arith.constant 1 : i32
          %mul3A_372 = arith.muli %scan3A_370, %mul3A_371 : i32
          %add3A_373 = arith.constant 0 : i32
          %add3A_374 = arith.addi %add3A_373, %mul3A_372 : i32
          %broadcast_in_dim3A = arith.constant 0xFF800000 : f32
          %broadcast_in_dim3A_375 = vector.broadcast %broadcast_in_dim3A : f32 to vector<16xf32>
          %scan3A_376 = arith.constant 0 : i32
          %scan3A_377 = arith.constant 128 : i32
          %scan3A_378 = arith.addi %scan3A_376, %scan3A_377 : i32
          %scan3A_379 = arith.constant 1 : i32
          %scan3A_380 = scf.for %scan3A_411 = %scan3A_376 to %scan3A_378 step %scan3A_379 iter_args(%scan3A_412 = %broadcast_in_dim3A_375) -> (vector<16xf32>)  : i32 {
            %mul3A_413 = arith.constant 16 : i32
            %mul3A_414 = arith.muli %scan3A_411, %mul3A_413 : i32
            %get3A_415 = arith.constant 0 : i32
            %get3A_416 = arith.constant 0 : i32
            %get3A_417 = tpu.memref_slice %run_scoped3A[%rem3A_256, %get3A_415, %get3A_416] : memref<2x8x2048xf32, #tpu.memory_space<vmem>> -> memref<1x8x2048xf32, #tpu.memory_space<vmem>>
            %get3A_418 = tpu.memref_squeeze %get3A_417 : memref<1x8x2048xf32, #tpu.memory_space<vmem>> -> memref<8x2048xf32, #tpu.memory_space<vmem>>
            %get3A_419 = arith.index_cast %add3A_374 : i32 to index
            %get3A_420 = arith.index_cast %mul3A_414 : i32 to index
            %get3A_421 = tpu.vector_load %get3A_418[%get3A_419, %get3A_420] {strides = array<i32>} : memref<8x2048xf32, #tpu.memory_space<vmem>>, vector<16xf32>,
            %max3A = arith.maximumf %scan3A_412, %get3A_421 : vector<16xf32>
            scf.yield %max3A : vector<16xf32>
          }
          %scan3A_381 = arith.constant 128 : i32
          %reduce_max3A = arith.constant true
          %reduce_max3A_382 = vector.broadcast %reduce_max3A : i1 to vector<16xi1>
          %reduce_max3A_383 = tpu.scan <max>, %scan3A_380 masked %reduce_max3A_382 : vector<16xf32>, vector<16xi1> -> vector<16xf32>
          %reduce_max3A_384 = vector.extract %reduce_max3A_383[15] : f32 from vector<16xf32>
          %broadcast_in_dim3A_385 = arith.constant 0.000000e+00 : f32
          %broadcast_in_dim3A_386 = vector.broadcast %broadcast_in_dim3A_385 : f32 to vector<16xf32>
          %scan3A_387 = arith.constant 0 : i32
          %scan3A_388 = arith.constant 128 : i32
          %scan3A_389 = arith.addi %scan3A_387, %scan3A_388 : i32
          %scan3A_390 = arith.constant 1 : i32
          %scan3A_391 = scf.for %scan3A_411 = %scan3A_387 to %scan3A_389 step %scan3A_390 iter_args(%scan3A_412 = %broadcast_in_dim3A_386) -> (vector<16xf32>)  : i32 {
            %mul3A_413 = arith.constant 16 : i32
            %mul3A_414 = arith.muli %scan3A_411, %mul3A_413 : i32
            %get3A_415 = arith.constant 0 : i32
            %get3A_416 = arith.constant 0 : i32
            %get3A_417 = tpu.memref_slice %run_scoped3A[%rem3A_256, %get3A_415, %get3A_416] : memref<2x8x2048xf32, #tpu.memory_space<vmem>> -> memref<1x8x2048xf32, #tpu.memory_space<vmem>>
            %get3A_418 = tpu.memref_squeeze %get3A_417 : memref<1x8x2048xf32, #tpu.memory_space<vmem>> -> memref<8x2048xf32, #tpu.memory_space<vmem>>
            %get3A_419 = arith.index_cast %add3A_374 : i32 to index
            %get3A_420 = arith.index_cast %mul3A_414 : i32 to index
            %get3A_421 = tpu.vector_load %get3A_418[%get3A_419, %get3A_420] {strides = array<i32>} : memref<8x2048xf32, #tpu.memory_space<vmem>>, vector<16xf32>,
            %sub3A_422 = vector.broadcast %reduce_max3A_384 : f32 to vector<16xf32>
            %sub3A_423 = arith.subf %get3A_421, %sub3A_422 : vector<16xf32>
            %mul3A_424 = arith.constant 2.000000e+02 : f32
            %mul3A_425 = vector.broadcast %mul3A_424 : f32 to vector<16xf32>
            %mul3A_426 = arith.mulf %sub3A_423, %mul3A_425 : vector<16xf32>
            %exp3A = math.exp %mul3A_426 : vector<16xf32>
            %mul3A_427 = arith.constant 16 : i32
            %mul3A_428 = arith.muli %scan3A_411, %mul3A_427 : i32
            %swap3A = arith.constant 0 : i32
            %swap3A_429 = arith.constant 0 : i32
            %swap3A_430 = tpu.memref_slice %run_scoped3A_10[%rem3A_260, %swap3A, %swap3A_429] : memref<2x8x2048xf32, #tpu.memory_space<vmem>> -> memref<1x8x2048xf32, #tpu.memory_space<vmem>>
            %swap3A_431 = tpu.memref_squeeze %swap3A_430 : memref<1x8x2048xf32, #tpu.memory_space<vmem>> -> memref<8x2048xf32, #tpu.memory_space<vmem>>
            %swap3A_432 = arith.index_cast %add3A_374 : i32 to index
            %swap3A_433 = arith.index_cast %mul3A_428 : i32 to index
            %swap3A_434 = tpu.vector_load %swap3A_431[%swap3A_432, %swap3A_433] {strides = array<i32>} : memref<8x2048xf32, #tpu.memory_space<vmem>>, vector<16xf32>,
            tpu.vector_store %swap3A_431[%swap3A_432, %swap3A_433], %exp3A {strides = array<i32>} : memref<8x2048xf32, #tpu.memory_space<vmem>>, vector<16xf32>,
            %add3A_435 = arith.addf %scan3A_412, %exp3A : vector<16xf32>
            scf.yield %add3A_435 : vector<16xf32>
          }
          %scan3A_392 = arith.constant 128 : i32
          %broadcast_in_dim3A_393 = arith.constant 0.000000e+00 : f32
          %broadcast_in_dim3A_394 = vector.broadcast %broadcast_in_dim3A_393 : f32 to vector<16xf32>
          %reduce_sum3A = arith.constant true
          %reduce_sum3A_395 = vector.broadcast %reduce_sum3A : i1 to vector<16xi1>
          %reduce_sum3A_396 = tpu.scan <sum>, %scan3A_391 masked %reduce_sum3A_395 : vector<16xf32>, vector<16xi1> -> vector<16xf32>
          %reduce_sum3A_397 = vector.extract %reduce_sum3A_396[15] : f32 from vector<16xf32>
          %add3A_398 = vector.broadcast %reduce_sum3A_397 : f32 to vector<16xf32>
          %add3A_399 = arith.addf %broadcast_in_dim3A_394, %add3A_398 : vector<16xf32>
          %get3A = arith.constant 0 : i32
          %get3A_400 = arith.constant 0 : i32
          %get3A_401 = tpu.memref_slice %run_scoped3A_8[%rem3A_258, %get3A, %get3A_400] : memref<2x8x16xf32, #tpu.memory_space<vmem>> -> memref<1x8x16xf32, #tpu.memory_space<vmem>>
          %get3A_402 = tpu.memref_squeeze %get3A_401 : memref<1x8x16xf32, #tpu.memory_space<vmem>> -> memref<8x16xf32, #tpu.memory_space<vmem>>
          %get3A_403 = arith.index_cast %add3A_374 : i32 to index
          %get3A_404 = arith.constant 0 : index
          %get3A_405 = tpu.vector_load %get3A_402[%get3A_403, %get3A_404] {strides = array<i32>} : memref<8x16xf32, #tpu.memory_space<vmem>>, vector<16xf32>,
          %div3A = arith.divf %get3A_405, %add3A_399 : vector<16xf32>
          %scan3A_406 = arith.constant 0 : i32
          %scan3A_407 = arith.constant 128 : i32
          %scan3A_408 = arith.addi %scan3A_406, %scan3A_407 : i32
          %scan3A_409 = arith.constant 1 : i32
          scf.for %scan3A_411 = %scan3A_406 to %scan3A_408 step %scan3A_409  : i32 {
            %mul3A_412 = arith.constant 1 : i32
            %mul3A_413 = arith.muli %scan3A_411, %mul3A_412 : i32
            %add3A_414 = arith.constant 0 : i32
            %add3A_415 = arith.addi %add3A_414, %mul3A_413 : i32
            %mul3A_416 = arith.constant 16 : i32
            %mul3A_417 = arith.muli %add3A_415, %mul3A_416 : i32
            %get3A_418 = arith.constant 0 : i32
            %get3A_419 = arith.constant 0 : i32
            %get3A_420 = tpu.memref_slice %run_scoped3A_10[%rem3A_260, %get3A_418, %get3A_419] : memref<2x8x2048xf32, #tpu.memory_space<vmem>> -> memref<1x8x2048xf32, #tpu.memory_space<vmem>>
            %get3A_421 = tpu.memref_squeeze %get3A_420 : memref<1x8x2048xf32, #tpu.memory_space<vmem>> -> memref<8x2048xf32, #tpu.memory_space<vmem>>
            %get3A_422 = arith.index_cast %add3A_374 : i32 to index
            %get3A_423 = arith.index_cast %mul3A_417 : i32 to index
            %get3A_424 = tpu.vector_load %get3A_421[%get3A_422, %get3A_423] {strides = array<i32>} : memref<8x2048xf32, #tpu.memory_space<vmem>>, vector<16xf32>,
            %mul3A_425 = arith.mulf %get3A_424, %div3A : vector<16xf32>
            %mul3A_426 = arith.constant 16 : i32
            %mul3A_427 = arith.muli %add3A_415, %mul3A_426 : i32
            %swap3A = arith.constant 0 : i32
            %swap3A_428 = arith.constant 0 : i32
            %swap3A_429 = tpu.memref_slice %run_scoped3A_10[%rem3A_260, %swap3A, %swap3A_428] : memref<2x8x2048xf32, #tpu.memory_space<vmem>> -> memref<1x8x2048xf32, #tpu.memory_space<vmem>>
            %swap3A_430 = tpu.memref_squeeze %swap3A_429 : memref<1x8x2048xf32, #tpu.memory_space<vmem>> -> memref<8x2048xf32, #tpu.memory_space<vmem>>
            %swap3A_431 = arith.index_cast %add3A_374 : i32 to index
            %swap3A_432 = arith.index_cast %mul3A_427 : i32 to index
            %swap3A_433 = tpu.vector_load %swap3A_430[%swap3A_431, %swap3A_432] {strides = array<i32>} : memref<8x2048xf32, #tpu.memory_space<vmem>>, vector<16xf32>,
            tpu.vector_store %swap3A_430[%swap3A_431, %swap3A_432], %mul3A_425 {strides = array<i32>} : memref<8x2048xf32, #tpu.memory_space<vmem>>, vector<16xf32>,
          }
          %scan3A_410 = arith.constant 128 : i32
        }
        %scan3A_265 = arith.constant 8 : i32
        "tpu.trace_stop"() : () -> ()
        %ne3A_266 = arith.cmpi ne, %add3A_161, %add3A_179 : i32
        %or3A_267 = arith.constant false
        %or3A_268 = arith.ori %or3A_267, %ne3A_266 : i1
        %or3A_269 = arith.constant false
        %or3A_270 = arith.ori %or3A_268, %or3A_269 : i1
        %or3A_271 = arith.ori %or3A_270, %eq3A_160 : i1
        %convert_element_type3A_272 = arith.extui %or3A_271 : i1 to i32
        %cond3A_273 = arith.constant 0 : i32
        %cond3A_274 = arith.cmpi ne, %convert_element_type3A_272, %cond3A_273 : i32
        scf.if %cond3A_274 {
        } else {
        }
        %and3A_275 = arith.constant false
        %and3A_276 = arith.andi %or3A_271, %and3A_275 : i1
        %ne3A_277 = arith.cmpi ne, %add3A_161, %add3A_179 : i32
        %or3A_278 = arith.constant false
        %or3A_279 = arith.ori %or3A_278, %ne3A_277 : i1
        %or3A_280 = arith.constant false
        %or3A_281 = arith.ori %or3A_279, %or3A_280 : i1
        %or3A_282 = arith.ori %or3A_281, %eq3A_160 : i1
        %convert_element_type3A_283 = arith.extui %or3A_282 : i1 to i32
        %cond3A_284 = arith.constant 0 : i32
        %cond3A_285 = arith.cmpi ne, %convert_element_type3A_283, %cond3A_284 : i32
        scf.if %cond3A_285 {
        } else {
        }
        %and3A_286 = arith.constant false
        %and3A_287 = arith.andi %or3A_282, %and3A_286 : i1
        %ne3A_288 = arith.cmpi ne, %add3A_161, %add3A_179 : i32
        %or3A_289 = arith.constant false
        %or3A_290 = arith.ori %or3A_289, %ne3A_288 : i1
        %or3A_291 = arith.constant false
        %or3A_292 = arith.ori %or3A_290, %or3A_291 : i1
        %or3A_293 = arith.ori %or3A_292, %eq3A_160 : i1
        %convert_element_type3A_294 = arith.extui %or3A_293 : i1 to i32
        %cond3A_295 = arith.constant 0 : i32
        %cond3A_296 = arith.cmpi ne, %convert_element_type3A_294, %cond3A_295 : i32
        scf.if %cond3A_296 {
          "tpu.trace_start"() <{level = 10 : i32, message = "ep_copy_out"}> : () -> ()
          %rem3A_370 = arith.constant 2 : i32
          %rem3A_371 = arith.remui %scan3A_154, %rem3A_370 : i32
          %mul3A_372 = arith.constant 8 : i32
          %mul3A_373 = arith.muli %mul3A_372, %add3A_161 : i32
          %dma_start3A_374 = arith.constant 0 : i32
          %dma_start3A_375 = arith.constant 0 : i32
          %dma_start3A_376 = tpu.memref_slice %run_scoped3A_10[%rem3A_371, %dma_start3A_374, %dma_start3A_375] : memref<2x8x2048xf32, #tpu.memory_space<vmem>> -> memref<1x8x2048xf32, #tpu.memory_space<vmem>>
          %dma_start3A_377 = tpu.memref_squeeze %dma_start3A_376 : memref<1x8x2048xf32, #tpu.memory_space<vmem>> -> memref<8x2048xf32, #tpu.memory_space<vmem>>
          %dma_start3A_378 = arith.constant 0 : i32
          %dma_start3A_379 = tpu.memref_slice %arg4[%mul3A_373, %dma_start3A_378] : memref<16384x2048xf32, #tpu.memory_space<hbm>> -> memref<8x2048xf32, #tpu.memory_space<hbm>>
          %dma_start3A_380 = tpu.memref_slice %run_scoped3A_11[%rem3A_371] : memref<2x!tpu.dma_semaphore, #tpu.memory_space<semaphore_mem>> -> memref<1x!tpu.dma_semaphore, #tpu.memory_space<semaphore_mem>>
          %dma_start3A_381 = tpu.memref_squeeze %dma_start3A_380 : memref<1x!tpu.dma_semaphore, #tpu.memory_space<semaphore_mem>> -> memref<!tpu.dma_semaphore, #tpu.memory_space<semaphore_mem>>
          %dma_start3A_382 = arith.constant 0 : i32
          %dma_start3A_383 = tpu.memref_slice %arg4[%mul3A_373, %dma_start3A_382] : memref<16384x2048xf32, #tpu.memory_space<hbm>> -> memref<8x2048xf32, #tpu.memory_space<hbm>>
          %dma_start3A_384 = arith.constant 0 : i32
          %dma_start3A_385 = arith.constant 0 : i32
          %dma_start3A_386 = tpu.memref_slice %run_scoped3A_10[%rem3A_371, %dma_start3A_384, %dma_start3A_385] : memref<2x8x2048xf32, #tpu.memory_space<vmem>> -> memref<1x8x2048xf32, #tpu.memory_space<vmem>>
          %dma_start3A_387 = tpu.memref_squeeze %dma_start3A_386 : memref<1x8x2048xf32, #tpu.memory_space<vmem>> -> memref<8x2048xf32, #tpu.memory_space<vmem>>
          tpu.enqueue_dma source(%dma_start3A_387 : memref<8x2048xf32, #tpu.memory_space<vmem>>) target(%dma_start3A_383 : memref<8x2048xf32, #tpu.memory_space<hbm>>) target_semaphore(%dma_start3A_381 : memref<!tpu.dma_semaphore, #tpu.memory_space<semaphore_mem>>)
          "tpu.trace_stop"() : () -> ()
        } else {
        }
        %and3A_297 = arith.constant true
        %and3A_298 = arith.andi %or3A_293, %and3A_297 : i1
        %add3A_299 = arith.constant 1 : i32
        %add3A_300 = arith.addi %scan3A_154, %add3A_299 : i32
        %select_n3A_301 = arith.select %and3A_298, %add3A_300, %scan3A_154 : i32
        %ne3A_302 = arith.cmpi ne, %add3A_161, %add3A_170 : i32
        %or3A_303 = arith.constant false
        %or3A_304 = arith.ori %or3A_303, %ne3A_302 : i1
        %or3A_305 = arith.constant false
        %or3A_306 = arith.ori %or3A_304, %or3A_305 : i1
        %not3A_307 = arith.constant true
        %not3A_308 = arith.xori %eq3A_158, %not3A_307 : i1
        %and3A_309 = arith.andi %or3A_306, %not3A_308 : i1
        %convert_element_type3A_310 = arith.extui %and3A_309 : i1 to i32
        %cond3A_311 = arith.constant 0 : i32
        %cond3A_312 = arith.cmpi ne, %convert_element_type3A_310, %cond3A_311 : i32
        scf.if %cond3A_312 {
        } else {
        }
        %and3A_313 = arith.constant false
        %and3A_314 = arith.andi %and3A_309, %and3A_313 : i1
        %ne3A_315 = arith.cmpi ne, %add3A_161, %add3A_170 : i32
        %or3A_316 = arith.constant false
        %or3A_317 = arith.ori %or3A_316, %ne3A_315 : i1
        %or3A_318 = arith.constant false
        %or3A_319 = arith.ori %or3A_317, %or3A_318 : i1
        %not3A_320 = arith.constant true
        %not3A_321 = arith.xori %eq3A_158, %not3A_320 : i1
        %and3A_322 = arith.andi %or3A_319, %not3A_321 : i1
        %convert_element_type3A_323 = arith.extui %and3A_322 : i1 to i32
        %cond3A_324 = arith.constant 0 : i32
        %cond3A_325 = arith.cmpi ne, %convert_element_type3A_323, %cond3A_324 : i32
        scf.if %cond3A_325 {
        } else {
        }
        %and3A_326 = arith.constant false
        %and3A_327 = arith.andi %and3A_322, %and3A_326 : i1
        %ne3A_328 = arith.cmpi ne, %add3A_161, %add3A_170 : i32
        %or3A_329 = arith.constant false
        %or3A_330 = arith.ori %or3A_329, %ne3A_328 : i1
        %or3A_331 = arith.constant false
        %or3A_332 = arith.ori %or3A_330, %or3A_331 : i1
        %not3A_333 = arith.constant true
        %not3A_334 = arith.xori %eq3A_158, %not3A_333 : i1
        %and3A_335 = arith.andi %or3A_332, %not3A_334 : i1
        %convert_element_type3A_336 = arith.extui %and3A_335 : i1 to i32
        %cond3A_337 = arith.constant 0 : i32
        %cond3A_338 = arith.cmpi ne, %convert_element_type3A_336, %cond3A_337 : i32
        scf.if %cond3A_338 {
          "tpu.trace_start"() <{level = 10 : i32, message = "ep_wait_out"}> : () -> ()
          %rem3A_370 = arith.constant 2 : i32
          %rem3A_371 = arith.remui %scan3A_155, %rem3A_370 : i32
          %mul3A_372 = arith.constant 8 : i32
          %mul3A_373 = arith.muli %mul3A_372, %add3A_170 : i32
          %dma_wait3A_374 = arith.constant 0 : i32
          %dma_wait3A_375 = arith.constant 0 : i32
          %dma_wait3A_376 = tpu.memref_slice %run_scoped3A_10[%rem3A_371, %dma_wait3A_374, %dma_wait3A_375] : memref<2x8x2048xf32, #tpu.memory_space<vmem>> -> memref<1x8x2048xf32, #tpu.memory_space<vmem>>
          %dma_wait3A_377 = tpu.memref_squeeze %dma_wait3A_376 : memref<1x8x2048xf32, #tpu.memory_space<vmem>> -> memref<8x2048xf32, #tpu.memory_space<vmem>>
          %dma_wait3A_378 = arith.constant 0 : i32
          %dma_wait3A_379 = tpu.memref_slice %arg4[%mul3A_373, %dma_wait3A_378] : memref<16384x2048xf32, #tpu.memory_space<hbm>> -> memref<8x2048xf32, #tpu.memory_space<hbm>>
          %dma_wait3A_380 = tpu.memref_slice %run_scoped3A_11[%rem3A_371] : memref<2x!tpu.dma_semaphore, #tpu.memory_space<semaphore_mem>> -> memref<1x!tpu.dma_semaphore, #tpu.memory_space<semaphore_mem>>
          %dma_wait3A_381 = tpu.memref_squeeze %dma_wait3A_380 : memref<1x!tpu.dma_semaphore, #tpu.memory_space<semaphore_mem>> -> memref<!tpu.dma_semaphore, #tpu.memory_space<semaphore_mem>>
          %dma_wait3A_382 = arith.constant 0 : i32
          %dma_wait3A_383 = tpu.memref_slice %arg4[%mul3A_373, %dma_wait3A_382] : memref<16384x2048xf32, #tpu.memory_space<hbm>> -> memref<8x2048xf32, #tpu.memory_space<hbm>>
          %dma_wait3A_384 = arith.constant 0 : i32
          %dma_wait3A_385 = arith.constant 0 : i32
          %dma_wait3A_386 = tpu.memref_slice %run_scoped3A_10[%rem3A_371, %dma_wait3A_384, %dma_wait3A_385] : memref<2x8x2048xf32, #tpu.memory_space<vmem>> -> memref<1x8x2048xf32, #tpu.memory_space<vmem>>
          %dma_wait3A_387 = tpu.memref_squeeze %dma_wait3A_386 : memref<1x8x2048xf32, #tpu.memory_space<vmem>> -> memref<8x2048xf32, #tpu.memory_space<vmem>>
          tpu.wait_dma2 semaphore(%dma_wait3A_381 : memref<!tpu.dma_semaphore, #tpu.memory_space<semaphore_mem>>) src(%dma_wait3A_387 : memref<8x2048xf32, #tpu.memory_space<vmem>>) dst(%dma_wait3A_383 : memref<8x2048xf32, #tpu.memory_space<hbm>>)
          "tpu.trace_stop"() : () -> ()
        } else {
        }
        %and3A_339 = arith.constant true
        %and3A_340 = arith.andi %and3A_335, %and3A_339 : i1
        %add3A_341 = arith.constant 1 : i32
        %add3A_342 = arith.addi %scan3A_155, %add3A_341 : i32
        %select_n3A_343 = arith.select %and3A_340, %add3A_342, %scan3A_155 : i32
        %ne3A_344 = arith.cmpi ne, %add3A_161, %add3A_179 : i32
        %or3A_345 = arith.constant false
        %or3A_346 = arith.ori %or3A_345, %ne3A_344 : i1
        %or3A_347 = arith.constant false
        %or3A_348 = arith.ori %or3A_346, %or3A_347 : i1
        %or3A_349 = arith.ori %or3A_348, %eq3A_160 : i1
        %add3A_350 = arith.constant 1 : i32
        %add3A_351 = arith.addi %scan3A_151, %add3A_350 : i32
        %select_n3A_352 = arith.select %or3A_349, %add3A_351, %scan3A_151 : i32
        %ne3A_353 = arith.cmpi ne, %add3A_161, %add3A_179 : i32
        %or3A_354 = arith.constant false
        %or3A_355 = arith.ori %or3A_354, %ne3A_353 : i1
        %or3A_356 = arith.constant false
        %or3A_357 = arith.ori %or3A_355, %or3A_356 : i1
        %or3A_358 = arith.ori %or3A_357, %eq3A_160 : i1
        %add3A_359 = arith.constant 1 : i32
        %add3A_360 = arith.addi %scan3A_153, %add3A_359 : i32
        %select_n3A_361 = arith.select %or3A_358, %add3A_360, %scan3A_153 : i32
        %add3A_362 = arith.constant 1 : i32
        %add3A_363 = arith.addi %scan3A_156, %add3A_362 : i32
        %select_n3A_364 = arith.constant true
        %select_n3A_365 = arith.select %select_n3A_364, %add3A_363, %scan3A_156 : i32
        %eq3A_366 = arith.constant 64 : i32
        %eq3A_367 = arith.cmpi eq, %select_n3A_365, %eq3A_366 : i32
        %select_n3A_368 = arith.constant 0 : i32
        %select_n3A_369 = arith.select %eq3A_367, %select_n3A_368, %select_n3A_365 : i32
        scf.yield %select_n3A_199, %select_n3A_352, %select_n3A_217, %select_n3A_361, %select_n3A_301, %select_n3A_343, %select_n3A_369 : i32, i32, i32, i32, i32, i32, i32
      }
      %scan3A_96 = arith.constant 64 : i32
      %sub3A = arith.constant 1 : i32
      %sub3A_97 = arith.subi %scan3A_95#6, %sub3A : i32
      %select_n3A_98 = arith.constant true
      %select_n3A_99 = arith.select %select_n3A_98, %sub3A_97, %scan3A_95#6 : i32
      %eq3A_100 = arith.constant -1 : i32
      %eq3A_101 = arith.cmpi eq, %select_n3A_99, %eq3A_100 : i32
      %select_n3A_102 = arith.constant 63 : i32
      %select_n3A_103 = arith.select %eq3A_101, %select_n3A_102, %select_n3A_99 : i32
      %add3A_104 = arith.addi %select_n3A_103, %mul3A_6 : i32
      %sub3A_105 = arith.constant 1 : i32
      %sub3A_106 = arith.subi %select_n3A_103, %sub3A_105 : i32
      %select_n3A_107 = arith.constant true
      %select_n3A_108 = arith.select %select_n3A_107, %sub3A_106, %select_n3A_103 : i32
      %eq3A_109 = arith.constant -1 : i32
      %eq3A_110 = arith.cmpi eq, %select_n3A_108, %eq3A_109 : i32
      %select_n3A_111 = arith.constant 63 : i32
      %select_n3A_112 = arith.select %eq3A_110, %select_n3A_111, %select_n3A_108 : i32
      %add3A_113 = arith.addi %select_n3A_112, %mul3A_6 : i32
      %add3A_114 = arith.constant 1 : i32
      %add3A_115 = arith.addi %select_n3A_103, %add3A_114 : i32
      %select_n3A_116 = arith.constant true
      %select_n3A_117 = arith.select %select_n3A_116, %add3A_115, %select_n3A_103 : i32
      %eq3A_118 = arith.constant 64 : i32
      %eq3A_119 = arith.cmpi eq, %select_n3A_117, %eq3A_118 : i32
      %select_n3A_120 = arith.constant 0 : i32
      %select_n3A_121 = arith.select %eq3A_119, %select_n3A_120, %select_n3A_117 : i32
      %add3A_122 = arith.addi %select_n3A_121, %mul3A_6 : i32
      %add3A_123 = arith.constant 1 : i32
      %add3A_124 = arith.addi %select_n3A_121, %add3A_123 : i32
      %select_n3A_125 = arith.constant true
      %select_n3A_126 = arith.select %select_n3A_125, %add3A_124, %select_n3A_121 : i32
      %eq3A_127 = arith.constant 64 : i32
      %eq3A_128 = arith.cmpi eq, %select_n3A_126, %eq3A_127 : i32
      %select_n3A_129 = arith.constant 0 : i32
      %select_n3A_130 = arith.select %eq3A_128, %select_n3A_129, %select_n3A_126 : i32
      %add3A_131 = arith.addi %select_n3A_130, %mul3A_6 : i32
      "tpu.trace_start"() <{level = 10 : i32, message = "ep_finalize"}> : () -> ()
      %rem3A_132 = arith.constant 2 : i32
      %rem3A_133 = arith.remui %scan3A_95#5, %rem3A_132 : i32
      %mul3A_134 = arith.constant 8 : i32
      %mul3A_135 = arith.muli %mul3A_134, %add3A_104 : i32
      %dma_wait3A = arith.constant 0 : i32
      %dma_wait3A_136 = arith.constant 0 : i32
      %dma_wait3A_137 = tpu.memref_slice %run_scoped3A_10[%rem3A_133, %dma_wait3A, %dma_wait3A_136] : memref<2x8x2048xf32, #tpu.memory_space<vmem>> -> memref<1x8x2048xf32, #tpu.memory_space<vmem>>
      %dma_wait3A_138 = tpu.memref_squeeze %dma_wait3A_137 : memref<1x8x2048xf32, #tpu.memory_space<vmem>> -> memref<8x2048xf32, #tpu.memory_space<vmem>>
      %dma_wait3A_139 = arith.constant 0 : i32
      %dma_wait3A_140 = tpu.memref_slice %arg4[%mul3A_135, %dma_wait3A_139] : memref<16384x2048xf32, #tpu.memory_space<hbm>> -> memref<8x2048xf32, #tpu.memory_space<hbm>>
      %dma_wait3A_141 = tpu.memref_slice %run_scoped3A_11[%rem3A_133] : memref<2x!tpu.dma_semaphore, #tpu.memory_space<semaphore_mem>> -> memref<1x!tpu.dma_semaphore, #tpu.memory_space<semaphore_mem>>
      %dma_wait3A_142 = tpu.memref_squeeze %dma_wait3A_141 : memref<1x!tpu.dma_semaphore, #tpu.memory_space<semaphore_mem>> -> memref<!tpu.dma_semaphore, #tpu.memory_space<semaphore_mem>>
      %dma_wait3A_143 = arith.constant 0 : i32
      %dma_wait3A_144 = tpu.memref_slice %arg4[%mul3A_135, %dma_wait3A_143] : memref<16384x2048xf32, #tpu.memory_space<hbm>> -> memref<8x2048xf32, #tpu.memory_space<hbm>>
      %dma_wait3A_145 = arith.constant 0 : i32
      %dma_wait3A_146 = arith.constant 0 : i32
      %dma_wait3A_147 = tpu.memref_slice %run_scoped3A_10[%rem3A_133, %dma_wait3A_145, %dma_wait3A_146] : memref<2x8x2048xf32, #tpu.memory_space<vmem>> -> memref<1x8x2048xf32, #tpu.memory_space<vmem>>
      %dma_wait3A_148 = tpu.memref_squeeze %dma_wait3A_147 : memref<1x8x2048xf32, #tpu.memory_space<vmem>> -> memref<8x2048xf32, #tpu.memory_space<vmem>>
      tpu.wait_dma2 semaphore(%dma_wait3A_142 : memref<!tpu.dma_semaphore, #tpu.memory_space<semaphore_mem>>) src(%dma_wait3A_148 : memref<8x2048xf32, #tpu.memory_space<vmem>>) dst(%dma_wait3A_144 : memref<8x2048xf32, #tpu.memory_space<hbm>>)
      "tpu.trace_stop"() : () -> ()
      tpu.yield
    }) : () -> ()
    return
  }
}

</mosaic_0001>

<sc_bundles>
// kernel: kernel.3.cloned.1.call-start
scs
__scs_entry_jumppad:
0x0: {  	(pc) =	sbr.rel $0x88, $3  }
0x1: {  	(tag) =	ssettag $0x0;
	lr =	simm.s32 $0x1  }
0x2: {  	[smem:$0x3F9F] =	sst lr;
	_ =	strace $0xD0000000  }
0x3: {  	_ = 	snop  }
0x4: {  	_ = 	snop  }
0x5: {  	_ = 	snop  }
0x6: {  	_ = 	snop  }
0x7: {  	_ = 	snop  }
__scs_overlays_trampoline_lowered:
0x8: {  	[smem:$0x3FAE] =	sst s0  }
0x9: {  	[smem:$0x3FAF] =	sst s1  }
0xa: {  	[smem:$0x3FB0] =	sst s2  }
0xb: {  	[smem:$0x3FB1] =	sst s3  }
0xc: {  	[smem:$0x3FB2] =	sst s4  }
0xd: {  	[smem:$0x3FB3] =	sst s5  }
0xe: {  	[smem:$0x3FB4] =	sst s6  }
0xf: {  	[smem:$0x3FB5] =	sst s7  }
0x10: {  	[smem:$0x3FB6] =	sst s8  }
0x11: {  	[smem:$0x3FB7] =	sst s9;
	s0 =	simm.s32 @!p0 $0x0  }
0x12: {  	s1 =	sld [smem:$0x3F9D];
	s0 =	simm.s32 @p0 $0x1  }
0x13: {  	[smem:$0x3FB8] =	sst s0;
	s0 =	simm.s32 @!p1 $0x0  }
0x14: {  	s2 =	sld [smem:$0x3F9C];
	s0 =	simm.s32 @p1 $0x1  }
0x15: {  	[smem:$0x3FB9] =	sst s0;
	s0 =	simm.s32 @!p2 $0x0  }
0x16: {  	s3 =	sld [smem:$0x3FDB];
	s0 =	simm.s32 @p2 $0x1  }
0x17: {  	s4 =	simm.s32 $0x1BF5;
	[smem:$0x3FBB] =	sst s0  }
0x18: {  	s0 =	sld [smem:$0x3F9E];
	_ =	swait.ge [sflag:s4], $0x0  }
0x19: {  	s7 =	sld [smem:$0x3F9F]  }
0x1a: {  	s8 =	sadd.s32 $0xFFFFE003, lr  }
0x1b: {  	s9 =	sadd.s32 $0xFFFFFEF7, lr;
	s5 =	simm.s32 $0xFFFFFFFF;
	p2 =	slt.u32 s8, $0xFFFFF086  }
0x1c: {  	p1 =	slt.u32 s9, $0xF7A;
	s5 =	simm.s32 @!p2 $0x0  }
0x1d: {  	s5 =	simm.s32 @p1 $0x1;
	p0 =	seq.s32 s7, s2  }
0x1e: {  	s7 =	smul.u32 @!p0 $0xF7A, s2;
	p2 =	seq.s32 @!p0 s5, $0x0  }
0x1f: {  	s9 =	smul.u32 $0xF7A, s1;
	s8 =	simm.s32 @!p0 $0x1BF5;
	p2 =	por !p2, p0  }
0x20: {  	[sflag:s8] =	ssyncset.s32 @!p0 $0xFFFFF086;
	s6 =	sadd.s32 @!p0 s3, s7;
	s7 =	simm.s32 @!p0 $0x108  }
0x21: {  	s3 =	sadd.s32 s3, s9;
	s6 =	sadd.s32 @!p0 $0x88, s6;
	s7 =	simm.s32 @p2 $0x1082  }
0x22: {  	[simem:s7], [sflag:s8] =	dma.local @!p0 [hbm:s6], $0xF7A  }
0x23: {  	s9 =	sor.u32 $0xD0000000, s2;
	s6 =	simm.s32 $0x108;
	_ =	swait.ge @!p0 [sflag:s8], $0x0  }
0x24: {  	s3 =	sadd.s32 $0x88, s3;
	s6 =	simm.s32 @!p1 $0x1082;
	[sflag:s4] =	ssyncset.s32 $0xFFFFF086  }
0x25: {  	[simem:s6], [sflag:s4] =	dma.local [hbm:s3], $0xF7A  }
0x26: {  	[smem:$0x3F9F] =	sst s1;
	(tag) =	ssettag s2;
	_ =	strace s9  }
0x27: {  	s1 =	sld [smem:$0x3FAF]  }
0x28: {  	s2 =	sld [smem:$0x3FB0]  }
0x29: {  	s4 =	sld [smem:$0x3FB2]  }
0x2a: {  	p0 =	seq.s32 s5, $0x0;
	s5 =	sld [smem:$0x3FB3]  }
0x2b: {  	s6 =	sld [smem:$0x3FB4]  }
0x2c: {  	s7 =	sld [smem:$0x3FB5]  }
0x2d: {  	s3 =	simm.s32 $0x108;
	s8 =	sld [smem:$0x3FB6]  }
0x2e: {  	s3 =	simm.s32 @!p0 $0x1082;
	s9 =	sld [smem:$0x3FB7]  }
0x2f: {  	lr =	sadd.s32 s0, s3;
	s0 =	sld [smem:$0x3FAE]  }
0x30: {  	s3 =	sld [smem:$0x3FB1]  }
0x31: {  	[smem:$0x3FBA] =	sst s10  }
0x32: {  	s10 =	sld [smem:$0x3FB8];
	_ =	sdelay $0x3  }
0x33: {  	p0 =	seq.s32 s10, $0x1;
	s10 =	sld [smem:$0x3FBA];
	_ =	sdelay $0x3  }
0x34: {  	[smem:$0x3FBA] =	sst s10  }
0x35: {  	s10 =	sld [smem:$0x3FB9];
	_ =	sdelay $0x3  }
0x36: {  	p1 =	seq.s32 s10, $0x1;
	s10 =	sld [smem:$0x3FBA];
	_ =	sdelay $0x3  }
0x37: {  	[smem:$0x3FBA] =	sst s10  }
0x38: {  	s10 =	sld [smem:$0x3FBB]  }
0x39: {  	_ = 	snop;
	(pc) =	sbr.ind lr, $3  }
0x3a: {  	_ = 	snop  }
0x3b: {  	_ = 	snop  }
0x3c: {  	p2 =	seq.s32 s10, $0x1;
	s10 =	sld [smem:$0x3FBA]  }
0x3d: {  	_ =	shalt  }
0x3e: {  	_ =	shalt  }
0x3f: {  	_ =	shalt  }
0x40: {  	_ =	shalt  }
0x41: {  	_ =	shalt  }
0x42: {  	_ =	shalt  }
0x43: {  	_ =	shalt  }
0x44: {  	_ =	shalt  }
0x45: {  	_ =	shalt  }
0x46: {  	_ =	shalt  }
0x47: {  	_ =	shalt  }
0x48: {  	_ =	shalt  }
0x49: {  	_ =	shalt  }
0x4a: {  	_ =	shalt  }
0x4b: {  	_ =	shalt  }
0x4c: {  	_ =	shalt  }
0x4d: {  	_ =	shalt  }
0x4e: {  	_ =	shalt  }
0x4f: {  	_ =	shalt  }
0x50: {  	_ =	shalt  }
0x51: {  	_ =	shalt  }
0x52: {  	_ =	shalt  }
0x53: {  	_ =	shalt  }
0x54: {  	_ =	shalt  }
0x55: {  	_ =	shalt  }
0x56: {  	_ =	shalt  }
0x57: {  	_ =	shalt  }
0x58: {  	_ =	shalt  }
0x59: {  	_ =	shalt  }
0x5a: {  	_ =	shalt  }
0x5b: {  	_ =	shalt  }
0x5c: {  	_ =	shalt  }
0x5d: {  	_ =	shalt  }
0x5e: {  	_ =	shalt  }
0x5f: {  	_ =	shalt  }
0x60: {  	_ =	shalt  }
0x61: {  	_ =	shalt  }
0x62: {  	_ =	shalt  }
0x63: {  	_ =	shalt  }
0x64: {  	_ =	shalt  }
0x65: {  	_ =	shalt  }
0x66: {  	_ =	shalt  }
0x67: {  	_ =	shalt  }
0x68: {  	_ =	shalt  }
0x69: {  	_ =	shalt  }
0x6a: {  	_ =	shalt  }
0x6b: {  	_ =	shalt  }
0x6c: {  	_ =	shalt  }
0x6d: {  	_ =	shalt  }
0x6e: {  	_ =	shalt  }
0x6f: {  	_ =	shalt  }
0x70: {  	_ =	shalt  }
0x71: {  	_ =	shalt  }
0x72: {  	_ =	shalt  }
0x73: {  	_ =	shalt  }
0x74: {  	_ =	shalt  }
0x75: {  	_ =	shalt  }
0x76: {  	_ =	shalt  }
0x77: {  	_ =	shalt  }
0x78: {  	_ =	shalt  }
0x79: {  	_ =	shalt  }
0x7a: {  	_ =	shalt  }
0x7b: {  	_ =	shalt  }
0x7c: {  	_ =	shalt  }
0x7d: {  	_ =	shalt  }
0x7e: {  	_ =	shalt  }
0x7f: {  	_ =	shalt  }
0x80: {  	_ =	shalt  }
0x81: {  	_ =	shalt  }
0x82: {  	_ =	shalt  }
0x83: {  	_ =	shalt  }
0x84: {  	_ =	shalt  }
0x85: {  	_ =	shalt  }
0x86: {  	_ =	shalt  }
0x87: {  	_ =	shalt  }
.Lfunc_end0:
.L_simem_size_0:
called_computation_lowered:
.L_overlay_start_0:
0x88: {  	s2 =	sld [smem:$0x3FD9]  }
0x89: {  	s3 =	sld [smem:$0x3FFE];
	_ =	sdelay $0x1  }
0x8a: {  	s1 =	srdreg.scid  }
0x8b: {  	s0 =	sand.u32 $0x1, s1  }
0x8c: {  	s17 =	sshll.u32 s0, $0xA;
	s2 =	sadd.s32 s3, s2  }
0x8d: {  	s2 =	sadd.s32 s2, s17  }
0x8e: {  	[smem:$0x3FC6] =	sst s2  }
0x8f: {  	_ = 	snop  }
0x90: {  	s2 =	sld [smem:$0x3FC9]  }
0x91: {  	s18 =	sld [smem:$0x3FD0];
	(tm) =	ssettm $0x1  }
0x92: {  	s4 =	sld [smem:$0x3FFB];
	_ =	sdelay $0x3  }
0x93: {  	_ =	strace s4  }
0x94: {  	s4 =	sld [smem:$0x3FFC];
	_ =	sdelay $0x3  }
0x95: {  	_ =	strace s4  }
0x96: {  	s4 =	sld [smem:$0x3FFD];
	_ =	sdelay $0x3  }
0x97: {  	_ =	strace s4  }
0x98: {  	_ =	strace $0x8FFFFFFF  }
0x99: {  	s19 =	sld [smem:$0x3FDB];
	_ =	sdelay $0x1  }
0x9a: {  	s5 =	simm.s32 $_scs_section_size  }
0x9b: {  	s6 =	simm.s32 $_size__tile_overlayer_lowered;
	s7 =	simm.s32 $_tile_overlayer_lowered  }
0x9c: {  	s22 =	simm.s32 $0x1BFF;
	s21 =	sshll.u32 s7, $0x1;
	s4 =	sadd.s32 s5, s19  }
0x9d: {  	s8 =	simm.s32 $0x0;
	s20 =	sshll.u32 s6, $0x1;
	s6 =	sadd.s32 s21, s4  }
0x9e: {  	[timem:s8], [sflag:s22] =	dma.local [hbm:s6], s20  }
0x9f: {  	_ =	swait.ge [sflag:s22], s20  }
0xa0: {  	s5 =	ssub.s32 $0x0, s20;
	[sflag:s22] =	ssyncset.done $0x0  }
0xa1: {  	[sflag:s22] =	ssyncadd.s32 s5;
	_ =	sdelay $0x1  }
0xa2: {  	s23 =	simm.s32 $0x1B8B  }
0xa3: {  	_ =	swait.ge [sflag:s23], $0x1  }
0xa4: {  	[sflag:s23] =	ssyncset.done $0x0  }
0xa5: {  	s25 =	simm.s32 $0x1B8E;
	s24 =	sld [smem:$0x3FFE];
	[sflag:s23] =	ssyncadd.s32 $0xFFFFFFFF  }
0xa6: {  	s26 =	simm.s32 $execute0_lowered;
	[smem:$0x3FD2] =	sst s25  }
0xa7: {  	s6 =	sshll.u32 s26, $0x1;
	_ =	strace $0x80000046;
	[dreg:$0x1] =	wrdreg $0xFFFFFFFF  }
0xa8: {  	s28 =	simm.s32 $_size_execute0_lowered;
	s4 =	sadd.s32 s4, s6;
	[dreg:$0x0] =	wrdreg $0x0  }
0xa9: {  	s6 =	sshll.u32 s28, $0x1;
	[dreg:$0x2] =	wrdreg s4  }
0xaa: {  	[dreg:$0x3] =	wrdreg s6  }
0xab: {  	[dreg:$0x4] =	wrdreg $0xC0  }
0xac: {  	_ =	task [dreg:s8], $0x5FFFF  }
0xad: {  	[dreg:$0x1] =	wrdreg $0xFFFFFFFF  }
0xae: {  	[dreg:$0x0] =	wrdreg $0x60  }
0xaf: {  	[dreg:$0x2] =	wrdreg s2  }
0xb0: {  	[dreg:$0x3] =	wrdreg s24  }
0xb1: {  	[dreg:$0x4] =	wrdreg s18  }
0xb2: {  	[dreg:$0x5] =	wrdreg $0x9  }
0xb3: {  	_ =	task.clear_ibuf [dreg:s8], $0x6FFFF;
	_ =	strace $0x90000046  }
0xb4: {  	s29 =	simm.s32 $0x9;
	_ =	strace $0x80000051  }
0xb5: {  	_ =	swait.ge [sflag:s29], $0x1  }
0xb6: {  	[sflag:s29] =	ssyncadd.s32 $0xFFFFFFFF  }
0xb7: {  	_ =	strace $0x90000051  }
0xb8: {  	_ =	sfence  }
0xb9: {  	s30 =	sld [smem:$0x0];
	_ =	sdelay $0x2  }
0xba: {  	s31 =	sshll.u32 s1, $0xD;
	s1 =	sshrl.u32 s1, $0x2  }
0xbb: {  	s3 =	sand.u32 $0x4000, s31;
	s1 =	sadd.s32 s1, s30  }
0xbc: {  	s0 =	sor.u32 s3, s0;
	s1 =	sshll.u32 s1, $0x11  }
0xbd: {  	s0 =	sor.u32 s1, s0  }
0xbe: {  	s0 =	sadd.s32 $0x8F2B, s0  }
0xbf: {  	[sflag:s0] =	ssyncadd.remote.s32 $0x1  }
0xc0: {  	_ =	sfence.sel $0xFFFF  }
0xc1: {  	[dreg:$0x0] =	wrdreg $0xFFFFFFFF;
	(pc) =	sbr.abs _section_cstart, $3  }
0xc2: {  	[dreg:$0x1] =	wrdreg $0xFFFFFFFF  }
0xc3: {  	_ =	task.clear_ibuf [dreg:s8], $0x2FFFF;
	_ =	strace $0x9FFFFFFF  }
0xc4: {  	(tm) =	ssettm $0x7FFFFFFF  }
0xc5: {  	_ =	shalt  }
tec
execute0_lowered:
.L_overlay_start_1:
0x0: {  	(tag) =	ssettag $0x1  }
0x1: {  	s1 =	rddreg [dreg:$0x0]  }
0x2: {  	s0 =	rddreg [dreg:$0x1]  }
0x3: {  	s2 =	rddreg [dreg:$0x2]  }
0x4: {  	s4 =	simm.s32 $0x0;
	s3 =	srdreg.scid;
	s7 =	stileid.u32  }
0x5: {  	s11 =	simm.s32 $0x6;
	s12 =	simm.s32 $0x0;
	s3 =	sand.u32 $0x1, s3  }
0x6: {  	s28 =	simm.s32 $0x0;
	[smem:$0x7FF] =	sst s4;
	s29 =	ssub.s32 $0x2, s3  }
0x7: {  	s5 =	sadd.s32 $0x400, s0;
	s3 =	sshll.u32 s3, $0x4;
	s6 =	sshrl.u32 s29, $0x1  }
0x8: {  	_ =	strace $0x80000047;
	s3 =	sor.u32 s7, s3;
	s30 =	ssub.s32 s29, s6  }
0x9: {  	s6 =	sshll.u32 s3, $0x6;
	s31 =	sshll.u32 s3, $0x11;
	s3 =	sshll.u32 s3, $0xD  }
0xa: {  	s7 =	sadd.s32 s1, s31;
	s8 =	sadd.s32 s5, s3;
	s9 =	smax.u32 s30, $0x1  }
.LBB2_1:
0xb: {  	_ =	strace $0x80000048;
	s0 =	simm.s32 $0x0;
	s3 =	simm.s32 $0x8000  }
0xc: {  	s21 =	simm.s32 $0x0;
	s13 =	simm.s32 $0x0;
	s14 =	simm.s32 $0x0  }
0xd: {  	[tilespmem:s0], [sflag:$0x1] =	stream.linear.gather [hbm4b:s7+s0], $0x4000, $0x200038;
	[tilespmem:$0x10800] =	vst v63  }
0xe: {  	s15 =	simm.s32 $0x0;
	s16 =	simm.s32 $0x1;
	s17 =	simm.s32 $0x0  }
0xf: {  	[tilespmem:s3], [sflag:$0x3] =	stream.linear.gather [hbm4b:s8+s0], $0x400, $0x200038;
	[tilespmem:$0x10800] =	vst v63  }
0x10: {  	s18 =	simm.s32 $0x1;
	s19 =	simm.s32 $0x0;
	_ =	strace $0x90000048  }
.LBB2_2:
0x11: {  	s20 =	sadd.s32 $0x1, s21  }
0x12: {  	p0 =	seq.s32 s20, $0x40  }
0x13: {  	s20 =	simm.s32 @p0 $0x0;
	p0 =	seq.s32 s19, $0x3F  }
0x14: {  	p1 =	seq.s32 @!p0 s21, s20  }
0x15: {  	p2 =	por p1, p0  }
0x16: {  	s3 =	sadd.s32 @!p2 s6, s20  }
0x17: {  	_ =	strace @!p2 $0x80000049;
	s4 =	sand.u32 @!p2 $0x1, s18;
	s10 =	sshll.u32 @!p2 s3, $0xB  }
0x18: {  	s23 =	simm.s32 @!p2 $0x0;
	s22 =	sshll.u32 @!p2 s4, $0xE;
	s10 =	sand.u32 @!p2 $0x1FFFF800, s10  }
0x19: {  	s4 =	sadd.s32 @!p2 $0x1, s4;
	s3 =	sshll.u32 @!p2 s3, $0x7;
	s10 =	sadd.s32 @!p2 s1, s10  }
0x1a: {  	[tilespmem:s22], [sflag:s4] =	stream.linear.gather @!p2 [hbm4b:s10+s23], $0x4000, $0x200038;
	[tilespmem:$0x10800] =	vst v63  }
0x1b: {  	s3 =	sand.u32 @!p2 $0x1FFFFF80, s3;
	s4 =	sand.u32 @!p2 $0x1, s16  }
0x1c: {  	s3 =	sadd.s32 @!p2 s5, s3;
	_ =	strace @!p2 $0x90000049;
	s10 =	sshll.u32 @!p2 s4, $0xA  }
0x1d: {  	s4 =	sadd.s32 @!p2 $0x3, s4;
	_ =	strace @!p2 $0x8000004A;
	s10 =	sor.u32 @!p2 $0x8000, s10  }
0x1e: {  	[tilespmem:s10], [sflag:s4] =	stream.linear.gather @!p2 [hbm4b:s3+s23], $0x400, $0x200038;
	[tilespmem:$0x10800] =	vst v63  }
0x1f: {  	s3 =	sand.u32 $0x1, s17;
	_ =	strace @!p2 $0x9000004A  }
0x20: {  	s25 =	sadd.s32 $0x1, s3;
	_ =	strace $0x8000004B  }
0x21: {  	s0 =	smov.u32 s18;
	_ =	swait.ge [sflag:s25], $0x4000  }
0x22: {  	s26 =	sand.u32 $0x1, s15;
	s24 =	sand.u32 $0x1, s14;
	[sflag:s25] =	ssyncset.done $0x0  }
0x23: {  	s30 =	sshll.u32 s15, $0xA;
	s29 =	simm.s32 $0x0;
	[sflag:s25] =	ssyncadd.s32 $0xFFFFC000  }
0x24: {  	s31 =	sshll.u32 s24, $0xE;
	p1 =	por !p1, p0;
	_ =	strace $0x9000004B  }
0x25: {  	s10 =	sadd.s32 @!p2 $0x1, s18;
	s4 =	sadd.s32 $0x3, s26;
	_ =	strace $0x8000004C  }
0x26: {  	s22 =	simm.s32 $0x0;
	s18 =	smov.u32 @p1 s10;
	_ =	swait.ge [sflag:s4], $0x400  }
0x27: {  	s26 =	sshll.u32 s3, $0xE;
	s25 =	sor.u32 $0x8800, s31;
	[sflag:s4] =	ssyncset.done $0x0  }
0x28: {  	s18 =	smov.u32 @p0 s0;
	s0 =	sand.u32 $0x400, s30;
	v1 =	vmov s25;
	[sflag:s4] =	ssyncadd.s32 $0xFFFFFC00  }
0x29: {  	s22 =	simm.s32 @p1 $0x1;
	v0 =	vmov s26;
	s0 =	sor.u32 $0x8000, s0;
	_ =	strace $0x9000004C  }
0x2a: {  	s22 =	simm.s32 @p0 $0x0;
	s23 =	sadd.s32 s6, s21;
	v2 =	vmov s0;
	_ =	strace $0x8000004D  }
.LBB2_3:
0x2b: {  	s0 =	sshll.u32 s29, $0x9  }
0x2c: {  	s30 =	sshrl.u32 s0, $0x2  }
0x2d: {  	s3 =	sand.u32 $0x3C00, s28;
	s0 =	sadd.s32 s30, s26  }
0x2e: {  	s4 =	sand.u32 $0x70, s28;
	s3 =	sadd.s32 s3, s0  }
0x2f: {  	s3 =	sadd.s32 s4, s3  }
0x30: {  	v4 =	vld [tilespmem:s3+$0x0]  }
0x31: {  	v3 =	vimm.f32 $-Inf;
	s10 =	simm.s32 $0x80;
	s4 =	simm.s32 $0x10  }
.LBB2_4:
0x32: {  	s3 =	sand.u32 $0x3C00, s10  }
0x33: {  	p1 =	sne.s32 s4, $0x7F0;
	s31 =	smov.u32 s4;
	s4 =	sadd.s32 $0x10, s4  }
.Ltmp0:
0x34: {  	s31 =	sand.u32 $0x70, s31;
	s3 =	sadd.s32 s3, s0;
	(pc) =	sbr.rel @p1 .LBB2_4-.Ltmp0, $3  }
0x35: {  	s3 =	sadd.s32 s31, s3;
	v3 =	vmax.f32 v3, v4  }
0x36: {  	v4 =	vld [tilespmem:s3+$0x0];
	_ =	sdelay $0x1  }
0x37: {  	s10 =	sadd.s32 $0x80, s10  }
0x38: {  	_ =	sdelay $0x1  }
0x39: {  	s31 =	simm.s32 $0x0;
	v3 =	vmax.f32 v3, v4  }
0x3a: {  	s0 =	sand.u32 $0x78, s31;
	(xrf0) =	vmax.scan.msk.f32 $0xffff, v3  }
0x3b: {  	s0 =	sadd.s32 s29, s0  }
0x3c: {  	s3 =	sand.u32 $0x70, s31;
	s0 =	sshll.u32 s0, $0x7  }
0x3d: {  	s0 =	sor.u32 s3, s0  }
0x3e: {  	v4 =	vld.idx.msk [tilespmem:v0+s0+$0x0 ss:$0x1], $0xffff;
	_ =	sdelay $0x1  }
0x3f: {  	v3, _, _ =	vpop (xrf0)  }
0x40: {  	v3 =	vbroadcast v3, $0xF;
	_ =	sdelay $0x1  }
0x41: {  	v4 =	vsub.f32 v4, v3;
	_ =	sdelay $0x1  }
0x42: {  	v4 =	vmul.f32 $2.000000000e+02, v4;
	_ =	sdelay $0x1  }
0x43: {  	v5 =	vmul.f32 $1.442695020e+00, v4;
	_ =	sdelay $0x1  }
0x44: {  	(erf) = vpow2.f32 v5;
	_ =	sdelay $0x5  }
0x45: {  	s10 =	simm.s32 $0x1  }
0x46: {  	s4 =	simm.s32 $0x2;
	s3 =	sand.u32 $0x78, s10;
	v4 =	vimm.f32 $0.0e+00  }
.LBB2_6:
0x47: {  	p1 =	sne.s32 s4, $0x7F;
	s3 =	sadd.s32 s29, s3;
	s31 =	sadd.s32 $0x10, s31  }
0x48: {  	s10 =	sand.u32 $0x70, s31;
	s3 =	sshll.u32 s3, $0x7;
	v5 =	vpop (erf)  }
0x49: {  	[tilespmem:v1+s0+$0x0 ss:$0x1] =	vst.idx.msk $0xffff, v5;
	s0 =	sor.u32 s10, s3;
	v4 =	vadd.f32 v5, v4  }
0x4a: {  	v5 =	vld.idx.msk [tilespmem:v0+s0+$0x0 ss:$0x1], $0xffff;
	_ =	sdelay $0x5  }
0x4b: {  	v5 =	vsub.f32 v5, v3;
	_ =	sdelay $0x1  }
0x4c: {  	v5 =	vmul.f32 $2.000000000e+02, v5;
	_ =	sdelay $0x1  }
0x4d: {  	v5 =	vmul.f32 $1.442695020e+00, v5;
	_ =	sdelay $0x1  }
0x4e: {  	(erf) = vpow2.f32 v5;
	_ =	sdelay $0x2  }
.Ltmp1:
0x4f: {  	(pc) =	sbr.rel @p1 .LBB2_6-.Ltmp1, $2  }
0x50: {  	_ =	sdelay $0x2  }
0x51: {  	s3 =	sand.u32 $0x78, s4;
	s4 =	sadd.s32 $0x1, s4  }
0x52: {  	_ =	sdelay $0x1  }
0x53: {  	s3 =	sadd.s32 s29, s3;
	s4 =	sadd.s32 $0x10, s31  }
0x54: {  	s4 =	sand.u32 $0x70, s4;
	s3 =	sshll.u32 s3, $0x7;
	v5 =	vpop (erf)  }
0x55: {  	s3 =	sor.u32 s4, s3;
	[tilespmem:v1+s0+$0x0 ss:$0x1] =	vst.idx.msk $0xffff, v5  }
0x56: {  	v6 =	vld.idx.msk [tilespmem:v0+s3+$0x0 ss:$0x1], $0xffff;
	_ =	sdelay $0x4  }
0x57: {  	v3 =	vsub.f32 v6, v3;
	_ =	sdelay $0x1  }
0x58: {  	v3 =	vmul.f32 $2.000000000e+02, v3;
	_ =	sdelay $0x1  }
0x59: {  	v3 =	vmul.f32 $1.442695020e+00, v3;
	_ =	sdelay $0x1  }
0x5a: {  	(erf) = vpow2.f32 v3;
	_ =	sdelay $0x7  }
0x5b: {  	v3 =	vadd.f32 v5, v4  }
0x5c: {  	v4 =	vpop (erf)  }
0x5d: {  	v3 =	vadd.f32 v4, v3;
	_ =	sdelay $0x1  }
0x5e: {  	(xrf2) =	vadd.scan.msk.f32 $0xffff, v3;
	_ =	sdelay $0x9  }
0x5f: {  	v3, _, _ =	vpop (xrf2)  }
0x60: {  	v3 =	vadd.f32 $0.0e+00, v3;
	_ =	sdelay $0x1  }
0x61: {  	v3 =	vbroadcast v3, $0xF;
	_ =	sdelay $0x1  }
0x62: {  	(erf) = vrcp.f32 v3;
	_ =	sdelay $0x2  }
0x63: {  	s4 =	simm.s32 $0x0  }
0x64: {  	s0 =	sadd.s32 s30, s25;
	s10 =	sand.u32 $0x3C00, s4;
	[tilespmem:v1+s3+$0x0 ss:$0x1] =	vst.idx.msk $0xffff, v4  }
0x65: {  	s4 =	sand.u32 $0x70, s4;
	s3 =	sadd.s32 s10, s0;
	v3 =	vld.idx.msk [tilespmem:v2+s30+$0x0 ss:$0x1], $0xffff  }
0x66: {  	s4 =	sadd.s32 s4, s3  }
0x67: {  	v4 =	vld [tilespmem:s4+$0x0];
	_ =	sdelay $0x1  }
0x68: {  	v5 =	vpop (erf)  }
0x69: {  	v3 =	vmul.f32 v3, v5  }
0x6a: {  	s30 =	simm.s32 $0x80  }
0x6b: {  	s31 =	simm.s32 $0x20;
	s10 =	simm.s32 $0x10;
	s3 =	sand.u32 $0x3C00, s30;
	v4 =	vmul.f32 v4, v3  }
.LBB2_8:
0x6c: {  	p1 =	sne.s32 s31, $0x7F0;
	s10 =	sand.u32 $0x70, s10;
	s3 =	sadd.s32 s3, s0  }
0x6d: {  	[tilespmem:s4+$0x0] =	vst v4;
	s4 =	sadd.s32 s10, s3;
	s10 =	smov.u32 s31  }
0x6e: {  	v4 =	vld [tilespmem:s4+$0x0]  }
.Ltmp2:
0x6f: {  	(pc) =	sbr.rel @p1 .LBB2_8-.Ltmp2, $3  }
0x70: {  	_ =	sdelay $0x1  }
0x71: {  	s30 =	sadd.s32 $0x80, s30  }
0x72: {  	s3 =	sand.u32 $0x3C00, s30;
	s31 =	sadd.s32 $0x10, s31;
	v4 =	vmul.f32 v4, v3  }
0x73: {  	s10 =	sand.u32 $0x70, s10;
	s0 =	sadd.s32 s3, s0  }
0x74: {  	s0 =	sadd.s32 s10, s0;
	[tilespmem:s4+$0x0] =	vst v4  }
0x75: {  	v4 =	vld [tilespmem:s0+$0x0]  }
0x76: {  	s29 =	sadd.s32 $0x1, s29  }
0x77: {  	p1 =	sne.s32 s29, $0x8  }
.Ltmp3:
0x78: {  	_ = 	snop;
	(pc) =	sbr.rel @p1 .LBB2_3-.Ltmp3, $3  }
0x79: {  	_ = 	snop  }
0x7a: {  	v3 =	vmul.f32 v4, v3;
	_ =	sdelay $0x1  }
0x7b: {  	[tilespmem:s0+$0x0] =	vst v3  }
0x7c: {  	p1 =	sne.s32 s21, s20  }
0x7d: {  	p0 =	por p0, p1  }
0x7e: {  	_ =	strace $0x9000004D;
	s0 =	sshll.u32 @p0 s23, $0xB  }
0x7f: {  	p1 =	seq.s32 s19, $0x0;
	_ =	strace @p0 $0x8000004E;
	s0 =	sand.u32 @p0 $0x1FFFF800, s0  }
0x80: {  	s3 =	sadd.s32 @p0 $0x5, s24;
	s4 =	simm.s32 @p0 $0x0;
	s0 =	sadd.s32 @p0 s2, s0  }
0x81: {  	[hbm4b:s0+s4] =	stream.linear.scatter @p0 [tilespmem:s25], [sflag:s3], $0x4000, $0x200038;
	[tilespmem:$0x10800] =	vst v63  }
0x82: {  	s0 =	sand.u32 @!p1 $0x1, s13;
	_ =	strace @p0 $0x9000004E  }
0x83: {  	s0 =	sadd.s32 @!p1 $0x5, s0;
	_ =	strace @!p1 $0x8000004F  }
0x84: {  	s3 =	simm.s32 $0x1;
	_ =	swait.ge @!p1 [sflag:s0], $0x4000  }
0x85: {  	s3 =	simm.s32 @!p0 $0x0;
	p0 =	sne.s32 s19, $0x0;
	[sflag:s0] =	ssyncset.done @!p1 $0x0  }
0x86: {  	s19 =	sadd.s32 $0x1, s19;
	[sflag:s0] =	ssyncadd.s32 @!p1 $0xFFFFC000;
	s0 =	simm.s32 $0x1  }
0x87: {  	s0 =	simm.s32 @!p0 $0x0;
	p0 =	sne.s32 s19, $0x40  }
.Ltmp4:
0x88: {  	_ = 	snop;
	(pc) =	sbr.rel @p0 .LBB2_2-.Ltmp4, $4  }
0x89: {  	_ = 	snop  }
0x8a: {  	s16 =	sadd.s32 s16, s22  }
0x8b: {  	s21 =	smov.u32 s20;
	s14 =	sadd.s32 s3, s14;
	s17 =	sadd.s32 s3, s17  }
0x8c: {  	s15 =	sadd.s32 s3, s15;
	_ =	strace @!p1 $0x9000004F;
	s13 =	sadd.s32 s0, s13  }
0x8d: {  	s12 =	sadd.s32 $0x1, s12  }
0x8e: {  	p0 =	sne.s32 s12, s9  }
.Ltmp5:
0x8f: {  	_ =	strace $0x80000050;
	(pc) =	sbr.rel @p0 .LBB2_1-.Ltmp5, $4  }
0x90: {  	_ =	swait.ge [sflag:s11], $0x4000  }
0x91: {  	[sflag:s11] =	ssyncset.done $0x0  }
0x92: {  	[sflag:s11] =	ssyncadd.s32 $0xFFFFC000  }
0x93: {  	_ =	strace $0x90000050  }
0x94: {  	_ =	sfence.sel $0x180000  }
0x95: {  	[bflag:$0x0] =	sbarrier.arrive $0xFFFF  }
0x96: {  	_ =	strace $0x90000047  }
0x97: {  	s0 =	stileid.u32;
	[bflag:$0x2] =	sbarrier.arrive $0xFFFF  }
0x98: {  	p0 =	sne.s32 s0, $0x0;
	s0 =	rddreg [dreg:$0x3]  }
0x99: {  	s0 =	sadd.s32 @!p0 $0x100000, s0  }
0x9a: {  	[sflag:s0] =	ssyncadd.tile.s32 @!p0 $0x1;
	_ =	shalt  }
.Lfunc_end2:
_tile_overlayer_lowered:
.L_overlay_start_2:
0x9b: {  	(tag) =	ssettag $0x2  }
0x9c: {  	s0 =	rddreg [dreg:$0x0];
	s2 =	stileid.u32  }
0x9d: {  	s1 =	rddreg [dreg:$0x1];
	p0 =	sne.s32 s2, $0x0  }
0x9e: {  	s3 =	rddreg [dreg:$0x2];
	[bflag:$0x3] =	sbarrier.arrive $0xFFFF;
	s2 =	simm.s32 @!p0 $0x1C01  }
0x9f: {  	[timem:s3], [sflag:s2] =	dma.local @!p0 [hbm:s0], s1  }
0xa0: {  	s0 =	simm.s32 @!p0 $0x1  }
0xa1: {  	_ =	swait.ge @!p0 [sflag:s0], s1  }
0xa2: {  	s1 =	ssub.s32 @!p0 $0x0, s1;
	[sflag:s0] =	ssyncset.done @!p0 $0x0  }
0xa3: {  	[sflag:s0] =	ssyncadd.s32 @!p0 s1  }
0xa4: {  	[bflag:$0x3] =	sbarrier.arrive $0xFFFF  }
0xa5: {  	_ =	shalt  }

</sc_bundles>
